<compile_context>
chip_gen: v7x
topology: tpu7x:2x2x1
jax: 0.10.2.dev20260603
libtpu: 0.0.44.dev20260713+nightly
codegen_flags: <defaults>
</compile_context>

<pallas_src>
import functools

import jax
import jax.numpy as jnp
from jax import lax
from jax.experimental import pallas as pl
from jax.experimental.pallas import tpu as pltpu

_BLK = 8192


def _fused_body(ids_ref, emb_hbm, g_ref, bt_ref, w_ref, b_ref, eb_ref,
                o_ref, x_ref, sems):
    j = pl.program_id(0)
    B = x_ref.shape[0]

    @pl.when(j == 0)
    def _():
        for k in range(B):
            pltpu.make_async_copy(
                emb_hbm.at[ids_ref[k]], x_ref.at[k], sems.at[k]
            ).start()
        for k in range(B):
            pltpu.make_async_copy(
                emb_hbm.at[ids_ref[k]], x_ref.at[k], sems.at[k]
            ).wait()

    x = x_ref[...]
    mu = jnp.mean(x, axis=-1, keepdims=True)
    var = jnp.mean((x - mu) * (x - mu), axis=-1, keepdims=True)
    xn = (x - mu) * lax.rsqrt(var + 1e-5)
    xn = xn * g_ref[...] + bt_ref[...]
    acc = lax.dot_general(
        xn, w_ref[...], (((1,), (1,)), ((), ())),
        preferred_element_type=jnp.float32,
    )
    o_ref[...] = acc + (b_ref[...] + eb_ref[...])[None, :]


def kernel(input_ids, emb_table, ln_gamma, ln_beta, lin_W, lin_b, extra_bias):
    B, S = input_ids.shape
    V, H = emb_table.shape
    ids = input_ids.reshape(B * S).astype(jnp.int32)

    nblk = -(-V // _BLK)
    grid_spec = pltpu.PrefetchScalarGridSpec(
        num_scalar_prefetch=1,
        grid=(nblk,),
        in_specs=[
            pl.BlockSpec(memory_space=pl.ANY),
            pl.BlockSpec((1, H), lambda j, ids: (0, 0)),
            pl.BlockSpec((1, H), lambda j, ids: (0, 0)),
            pl.BlockSpec((_BLK, H), lambda j, ids: (j, 0)),
            pl.BlockSpec((_BLK,), lambda j, ids: (j,)),
            pl.BlockSpec((_BLK,), lambda j, ids: (j,)),
        ],
        out_specs=pl.BlockSpec((B * S, _BLK), lambda j, ids: (0, j)),
        scratch_shapes=[
            pltpu.VMEM((B * S, H), jnp.float32),
            pltpu.SemaphoreType.DMA((B * S,)),
        ],
    )
    logits = pl.pallas_call(
        _fused_body,
        grid_spec=grid_spec,
        out_shape=jax.ShapeDtypeStruct((B * S, V), jnp.float32),
        compiler_params=pltpu.CompilerParams(
            dimension_semantics=("arbitrary",),
        ),
    )(
        ids,
        emb_table,
        ln_gamma.reshape(1, H),
        ln_beta.reshape(1, H),
        lin_W,
        lin_b,
        extra_bias,
    )
    return logits.reshape(B, S, V)

# --- scband reference (transcript-rebuilt; emitter-appended) ---
"""Pipeline reference for scband-simple-test-model-28638841929866 (READ-ONLY COPY).

The authoritative reference and input builder live on the scoring server;
editing this copy changes nothing except your own understanding.
"""

import jax, jax.numpy as jnp
import numpy as np

V = 1000000
H = 64
B = 32
S = 1

def setup_inputs(seed: int = 0) -> dict:
    key = jax.random.key(seed)
    ks = jax.random.split(key, 6)
    input_ids = jax.random.randint(ks[0], (B, S), 0, V)
    emb_table = jax.random.normal(ks[1], (V, H), dtype=jnp.float32) * 0.02
    ln_gamma = jnp.ones((H,), dtype=jnp.float32)
    ln_beta = jnp.zeros((H,), dtype=jnp.float32)
    lin_W = jax.random.normal(ks[2], (V, H), dtype=jnp.float32) * 0.02
    lin_b = jnp.zeros((V,), dtype=jnp.float32)
    extra_bias = jax.random.normal(ks[3], (V,), dtype=jnp.float32)
    return {
        'input_ids': input_ids,
        'emb_table': emb_table,
        'ln_gamma': ln_gamma,
        'ln_beta': ln_beta,
        'lin_W': lin_W,
        'lin_b': lin_b,
        'extra_bias': extra_bias,
    }

def reference(input_ids, emb_table, ln_gamma, ln_beta, lin_W, lin_b, extra_bias):
    # embedding lookup
    inputs_embeds = jnp.take(emb_table, input_ids, axis=0)  # [B, S, H]
    # LayerNorm over last dim (eps=1e-5, like nn.LayerNorm default)
    mu = jnp.mean(inputs_embeds, axis=-1, keepdims=True)
    var = jnp.var(inputs_embeds, axis=-1, keepdims=True)
    x = (inputs_embeds - mu) / jnp.sqrt(var + 1e-5)
    x = x * ln_gamma + ln_beta
    # Linear(hidden_dim -> vocab_size) + learned bias parameter
    logits = jnp.einsum('bsh,vh->bsv', x, lin_W) + lin_b + extra_bias
    return logits

if __name__ == "__main__":
    import jax
    _d = setup_inputs()
    print(jax.jit(kernel)(*tuple(_d.values())))

</pallas_src>

<mosaic_0001>
module attributes {stable_mosaic.version = 14 : i64} {
  func.func @_fused_body(%arg0: i32, %arg1: memref<32xi32, #tpu.memory_space<smem>>, %arg2: memref<1000000x64xf32, #tpu.memory_space<any>>, %arg3: memref<1x64xf32, #tpu.memory_space<vmem>>, %arg4: memref<1x64xf32, #tpu.memory_space<vmem>>, %arg5: memref<8192x64xf32, #tpu.memory_space<vmem>>, %arg6: memref<8192xf32, #tpu.memory_space<vmem>>, %arg7: memref<8192xf32, #tpu.memory_space<vmem>>, %arg8: memref<32x8192xf32, #tpu.memory_space<vmem>>, %arg9: memref<32x64xf32, #tpu.memory_space<vmem>>, %arg10: memref<32x!tpu.dma_semaphore, #tpu.memory_space<semaphore_mem>>) attributes {dimension_semantics = [#tpu.dimension_semantics<arbitrary>], iteration_bounds = array<i64: 123>, scalar_prefetch = 1 : i64, scratch_operands = 2 : i64, tpu.core_type = #tpu.core_type<tc>, window_params = [{}, {pipeline_mode = #tpu.pipeline_mode<synchronous>, transform_indices = @transform_1, window_bounds = array<i64: 1, 64>}, {pipeline_mode = #tpu.pipeline_mode<synchronous>, transform_indices = @transform_2, window_bounds = array<i64: 1, 64>}, {transform_indices = @transform_3, window_bounds = array<i64: 8192, 64>}, {transform_indices = @transform_4, window_bounds = array<i64: 8192>}, {transform_indices = @transform_5, window_bounds = array<i64: 8192>}, {transform_indices = @transform_6, window_bounds = array<i64: 32, 8192>}]} {
    %eq3A = arith.constant 0 : i32
    %eq3A_0 = arith.cmpi eq, %arg0, %eq3A : i32
    %convert_element_type3A = arith.extui %eq3A_0 : i1 to i32
    %cond3A = arith.constant 0 : i32
    %cond3A_1 = arith.cmpi ne, %convert_element_type3A, %cond3A : i32
    scf.if %cond3A_1 {
      %get3A_46 = arith.constant 0 : index
      %get3A_47 = memref.load %arg1[%get3A_46] : memref<32xi32, #tpu.memory_space<smem>>
      %dma_start3A = arith.constant 0 : i32
      %dma_start3A_48 = arith.constant 0 : i32
      %dma_start3A_49 = tpu.memref_slice %arg10[%dma_start3A_48] : memref<32x!tpu.dma_semaphore, #tpu.memory_space<semaphore_mem>> -> memref<1x!tpu.dma_semaphore, #tpu.memory_space<semaphore_mem>>
      %dma_start3A_50 = tpu.memref_squeeze %dma_start3A_49 : memref<1x!tpu.dma_semaphore, #tpu.memory_space<semaphore_mem>> -> memref<!tpu.dma_semaphore, #tpu.memory_space<semaphore_mem>>
      %dma_start3A_51 = arith.constant 0 : i32
      %dma_start3A_52 = tpu.memref_slice %arg9[%dma_start3A, %dma_start3A_51] : memref<32x64xf32, #tpu.memory_space<vmem>> -> memref<1x64xf32, #tpu.memory_space<vmem>>
      %dma_start3A_53 = tpu.memref_squeeze %dma_start3A_52 : memref<1x64xf32, #tpu.memory_space<vmem>> -> memref<64xf32, #tpu.memory_space<vmem>>
      %dma_start3A_54 = arith.constant 0 : i32
      %dma_start3A_55 = tpu.memref_slice %arg2[%get3A_47, %dma_start3A_54] : memref<1000000x64xf32, #tpu.memory_space<any>> -> memref<1x64xf32, #tpu.memory_space<any>>
      %dma_start3A_56 = tpu.memref_squeeze %dma_start3A_55 : memref<1x64xf32, #tpu.memory_space<any>> -> memref<64xf32, #tpu.memory_space<any>>
      tpu.enqueue_dma source(%dma_start3A_56 : memref<64xf32, #tpu.memory_space<any>>) target(%dma_start3A_53 : memref<64xf32, #tpu.memory_space<vmem>>) target_semaphore(%dma_start3A_50 : memref<!tpu.dma_semaphore, #tpu.memory_space<semaphore_mem>>)
      %get3A_57 = arith.constant 1 : index
      %get3A_58 = memref.load %arg1[%get3A_57] : memref<32xi32, #tpu.memory_space<smem>>
      %dma_start3A_59 = arith.constant 1 : i32
      %dma_start3A_60 = arith.constant 1 : i32
      %dma_start3A_61 = tpu.memref_slice %arg10[%dma_start3A_60] : memref<32x!tpu.dma_semaphore, #tpu.memory_space<semaphore_mem>> -> memref<1x!tpu.dma_semaphore, #tpu.memory_space<semaphore_mem>>
      %dma_start3A_62 = tpu.memref_squeeze %dma_start3A_61 : memref<1x!tpu.dma_semaphore, #tpu.memory_space<semaphore_mem>> -> memref<!tpu.dma_semaphore, #tpu.memory_space<semaphore_mem>>
      %dma_start3A_63 = arith.constant 0 : i32
      %dma_start3A_64 = tpu.memref_slice %arg9[%dma_start3A_59, %dma_start3A_63] : memref<32x64xf32, #tpu.memory_space<vmem>> -> memref<1x64xf32, #tpu.memory_space<vmem>>
      %dma_start3A_65 = tpu.memref_squeeze %dma_start3A_64 : memref<1x64xf32, #tpu.memory_space<vmem>> -> memref<64xf32, #tpu.memory_space<vmem>>
      %dma_start3A_66 = arith.constant 0 : i32
      %dma_start3A_67 = tpu.memref_slice %arg2[%get3A_58, %dma_start3A_66] : memref<1000000x64xf32, #tpu.memory_space<any>> -> memref<1x64xf32, #tpu.memory_space<any>>
      %dma_start3A_68 = tpu.memref_squeeze %dma_start3A_67 : memref<1x64xf32, #tpu.memory_space<any>> -> memref<64xf32, #tpu.memory_space<any>>
      tpu.enqueue_dma source(%dma_start3A_68 : memref<64xf32, #tpu.memory_space<any>>) target(%dma_start3A_65 : memref<64xf32, #tpu.memory_space<vmem>>) target_semaphore(%dma_start3A_62 : memref<!tpu.dma_semaphore, #tpu.memory_space<semaphore_mem>>)
      %get3A_69 = arith.constant 2 : index
      %get3A_70 = memref.load %arg1[%get3A_69] : memref<32xi32, #tpu.memory_space<smem>>
      %dma_start3A_71 = arith.constant 2 : i32
      %dma_start3A_72 = arith.constant 2 : i32
      %dma_start3A_73 = tpu.memref_slice %arg10[%dma_start3A_72] : memref<32x!tpu.dma_semaphore, #tpu.memory_space<semaphore_mem>> -> memref<1x!tpu.dma_semaphore, #tpu.memory_space<semaphore_mem>>
      %dma_start3A_74 = tpu.memref_squeeze %dma_start3A_73 : memref<1x!tpu.dma_semaphore, #tpu.memory_space<semaphore_mem>> -> memref<!tpu.dma_semaphore, #tpu.memory_space<semaphore_mem>>
      %dma_start3A_75 = arith.constant 0 : i32
      %dma_start3A_76 = tpu.memref_slice %arg9[%dma_start3A_71, %dma_start3A_75] : memref<32x64xf32, #tpu.memory_space<vmem>> -> memref<1x64xf32, #tpu.memory_space<vmem>>
      %dma_start3A_77 = tpu.memref_squeeze %dma_start3A_76 : memref<1x64xf32, #tpu.memory_space<vmem>> -> memref<64xf32, #tpu.memory_space<vmem>>
      %dma_start3A_78 = arith.constant 0 : i32
      %dma_start3A_79 = tpu.memref_slice %arg2[%get3A_70, %dma_start3A_78] : memref<1000000x64xf32, #tpu.memory_space<any>> -> memref<1x64xf32, #tpu.memory_space<any>>
      %dma_start3A_80 = tpu.memref_squeeze %dma_start3A_79 : memref<1x64xf32, #tpu.memory_space<any>> -> memref<64xf32, #tpu.memory_space<any>>
      tpu.enqueue_dma source(%dma_start3A_80 : memref<64xf32, #tpu.memory_space<any>>) target(%dma_start3A_77 : memref<64xf32, #tpu.memory_space<vmem>>) target_semaphore(%dma_start3A_74 : memref<!tpu.dma_semaphore, #tpu.memory_space<semaphore_mem>>)
      %get3A_81 = arith.constant 3 : index
      %get3A_82 = memref.load %arg1[%get3A_81] : memref<32xi32, #tpu.memory_space<smem>>
      %dma_start3A_83 = arith.constant 3 : i32
      %dma_start3A_84 = arith.constant 3 : i32
      %dma_start3A_85 = tpu.memref_slice %arg10[%dma_start3A_84] : memref<32x!tpu.dma_semaphore, #tpu.memory_space<semaphore_mem>> -> memref<1x!tpu.dma_semaphore, #tpu.memory_space<semaphore_mem>>
      %dma_start3A_86 = tpu.memref_squeeze %dma_start3A_85 : memref<1x!tpu.dma_semaphore, #tpu.memory_space<semaphore_mem>> -> memref<!tpu.dma_semaphore, #tpu.memory_space<semaphore_mem>>
      %dma_start3A_87 = arith.constant 0 : i32
      %dma_start3A_88 = tpu.memref_slice %arg9[%dma_start3A_83, %dma_start3A_87] : memref<32x64xf32, #tpu.memory_space<vmem>> -> memref<1x64xf32, #tpu.memory_space<vmem>>
      %dma_start3A_89 = tpu.memref_squeeze %dma_start3A_88 : memref<1x64xf32, #tpu.memory_space<vmem>> -> memref<64xf32, #tpu.memory_space<vmem>>
      %dma_start3A_90 = arith.constant 0 : i32
      %dma_start3A_91 = tpu.memref_slice %arg2[%get3A_82, %dma_start3A_90] : memref<1000000x64xf32, #tpu.memory_space<any>> -> memref<1x64xf32, #tpu.memory_space<any>>
      %dma_start3A_92 = tpu.memref_squeeze %dma_start3A_91 : memref<1x64xf32, #tpu.memory_space<any>> -> memref<64xf32, #tpu.memory_space<any>>
      tpu.enqueue_dma source(%dma_start3A_92 : memref<64xf32, #tpu.memory_space<any>>) target(%dma_start3A_89 : memref<64xf32, #tpu.memory_space<vmem>>) target_semaphore(%dma_start3A_86 : memref<!tpu.dma_semaphore, #tpu.memory_space<semaphore_mem>>)
      %get3A_93 = arith.constant 4 : index
      %get3A_94 = memref.load %arg1[%get3A_93] : memref<32xi32, #tpu.memory_space<smem>>
      %dma_start3A_95 = arith.constant 4 : i32
      %dma_start3A_96 = arith.constant 4 : i32
      %dma_start3A_97 = tpu.memref_slice %arg10[%dma_start3A_96] : memref<32x!tpu.dma_semaphore, #tpu.memory_space<semaphore_mem>> -> memref<1x!tpu.dma_semaphore, #tpu.memory_space<semaphore_mem>>
      %dma_start3A_98 = tpu.memref_squeeze %dma_start3A_97 : memref<1x!tpu.dma_semaphore, #tpu.memory_space<semaphore_mem>> -> memref<!tpu.dma_semaphore, #tpu.memory_space<semaphore_mem>>
      %dma_start3A_99 = arith.constant 0 : i32
      %dma_start3A_100 = tpu.memref_slice %arg9[%dma_start3A_95, %dma_start3A_99] : memref<32x64xf32, #tpu.memory_space<vmem>> -> memref<1x64xf32, #tpu.memory_space<vmem>>
      %dma_start3A_101 = tpu.memref_squeeze %dma_start3A_100 : memref<1x64xf32, #tpu.memory_space<vmem>> -> memref<64xf32, #tpu.memory_space<vmem>>
      %dma_start3A_102 = arith.constant 0 : i32
      %dma_start3A_103 = tpu.memref_slice %arg2[%get3A_94, %dma_start3A_102] : memref<1000000x64xf32, #tpu.memory_space<any>> -> memref<1x64xf32, #tpu.memory_space<any>>
      %dma_start3A_104 = tpu.memref_squeeze %dma_start3A_103 : memref<1x64xf32, #tpu.memory_space<any>> -> memref<64xf32, #tpu.memory_space<any>>
      tpu.enqueue_dma source(%dma_start3A_104 : memref<64xf32, #tpu.memory_space<any>>) target(%dma_start3A_101 : memref<64xf32, #tpu.memory_space<vmem>>) target_semaphore(%dma_start3A_98 : memref<!tpu.dma_semaphore, #tpu.memory_space<semaphore_mem>>)
      %get3A_105 = arith.constant 5 : index
      %get3A_106 = memref.load %arg1[%get3A_105] : memref<32xi32, #tpu.memory_space<smem>>
      %dma_start3A_107 = arith.constant 5 : i32
      %dma_start3A_108 = arith.constant 5 : i32
      %dma_start3A_109 = tpu.memref_slice %arg10[%dma_start3A_108] : memref<32x!tpu.dma_semaphore, #tpu.memory_space<semaphore_mem>> -> memref<1x!tpu.dma_semaphore, #tpu.memory_space<semaphore_mem>>
      %dma_start3A_110 = tpu.memref_squeeze %dma_start3A_109 : memref<1x!tpu.dma_semaphore, #tpu.memory_space<semaphore_mem>> -> memref<!tpu.dma_semaphore, #tpu.memory_space<semaphore_mem>>
      %dma_start3A_111 = arith.constant 0 : i32
      %dma_start3A_112 = tpu.memref_slice %arg9[%dma_start3A_107, %dma_start3A_111] : memref<32x64xf32, #tpu.memory_space<vmem>> -> memref<1x64xf32, #tpu.memory_space<vmem>>
      %dma_start3A_113 = tpu.memref_squeeze %dma_start3A_112 : memref<1x64xf32, #tpu.memory_space<vmem>> -> memref<64xf32, #tpu.memory_space<vmem>>
      %dma_start3A_114 = arith.constant 0 : i32
      %dma_start3A_115 = tpu.memref_slice %arg2[%get3A_106, %dma_start3A_114] : memref<1000000x64xf32, #tpu.memory_space<any>> -> memref<1x64xf32, #tpu.memory_space<any>>
      %dma_start3A_116 = tpu.memref_squeeze %dma_start3A_115 : memref<1x64xf32, #tpu.memory_space<any>> -> memref<64xf32, #tpu.memory_space<any>>
      tpu.enqueue_dma source(%dma_start3A_116 : memref<64xf32, #tpu.memory_space<any>>) target(%dma_start3A_113 : memref<64xf32, #tpu.memory_space<vmem>>) target_semaphore(%dma_start3A_110 : memref<!tpu.dma_semaphore, #tpu.memory_space<semaphore_mem>>)
      %get3A_117 = arith.constant 6 : index
      %get3A_118 = memref.load %arg1[%get3A_117] : memref<32xi32, #tpu.memory_space<smem>>
      %dma_start3A_119 = arith.constant 6 : i32
      %dma_start3A_120 = arith.constant 6 : i32
      %dma_start3A_121 = tpu.memref_slice %arg10[%dma_start3A_120] : memref<32x!tpu.dma_semaphore, #tpu.memory_space<semaphore_mem>> -> memref<1x!tpu.dma_semaphore, #tpu.memory_space<semaphore_mem>>
      %dma_start3A_122 = tpu.memref_squeeze %dma_start3A_121 : memref<1x!tpu.dma_semaphore, #tpu.memory_space<semaphore_mem>> -> memref<!tpu.dma_semaphore, #tpu.memory_space<semaphore_mem>>
      %dma_start3A_123 = arith.constant 0 : i32
      %dma_start3A_124 = tpu.memref_slice %arg9[%dma_start3A_119, %dma_start3A_123] : memref<32x64xf32, #tpu.memory_space<vmem>> -> memref<1x64xf32, #tpu.memory_space<vmem>>
      %dma_start3A_125 = tpu.memref_squeeze %dma_start3A_124 : memref<1x64xf32, #tpu.memory_space<vmem>> -> memref<64xf32, #tpu.memory_space<vmem>>
      %dma_start3A_126 = arith.constant 0 : i32
      %dma_start3A_127 = tpu.memref_slice %arg2[%get3A_118, %dma_start3A_126] : memref<1000000x64xf32, #tpu.memory_space<any>> -> memref<1x64xf32, #tpu.memory_space<any>>
      %dma_start3A_128 = tpu.memref_squeeze %dma_start3A_127 : memref<1x64xf32, #tpu.memory_space<any>> -> memref<64xf32, #tpu.memory_space<any>>
      tpu.enqueue_dma source(%dma_start3A_128 : memref<64xf32, #tpu.memory_space<any>>) target(%dma_start3A_125 : memref<64xf32, #tpu.memory_space<vmem>>) target_semaphore(%dma_start3A_122 : memref<!tpu.dma_semaphore, #tpu.memory_space<semaphore_mem>>)
      %get3A_129 = arith.constant 7 : index
      %get3A_130 = memref.load %arg1[%get3A_129] : memref<32xi32, #tpu.memory_space<smem>>
      %dma_start3A_131 = arith.constant 7 : i32
      %dma_start3A_132 = arith.constant 7 : i32
      %dma_start3A_133 = tpu.memref_slice %arg10[%dma_start3A_132] : memref<32x!tpu.dma_semaphore, #tpu.memory_space<semaphore_mem>> -> memref<1x!tpu.dma_semaphore, #tpu.memory_space<semaphore_mem>>
      %dma_start3A_134 = tpu.memref_squeeze %dma_start3A_133 : memref<1x!tpu.dma_semaphore, #tpu.memory_space<semaphore_mem>> -> memref<!tpu.dma_semaphore, #tpu.memory_space<semaphore_mem>>
      %dma_start3A_135 = arith.constant 0 : i32
      %dma_start3A_136 = tpu.memref_slice %arg9[%dma_start3A_131, %dma_start3A_135] : memref<32x64xf32, #tpu.memory_space<vmem>> -> memref<1x64xf32, #tpu.memory_space<vmem>>
      %dma_start3A_137 = tpu.memref_squeeze %dma_start3A_136 : memref<1x64xf32, #tpu.memory_space<vmem>> -> memref<64xf32, #tpu.memory_space<vmem>>
      %dma_start3A_138 = arith.constant 0 : i32
      %dma_start3A_139 = tpu.memref_slice %arg2[%get3A_130, %dma_start3A_138] : memref<1000000x64xf32, #tpu.memory_space<any>> -> memref<1x64xf32, #tpu.memory_space<any>>
      %dma_start3A_140 = tpu.memref_squeeze %dma_start3A_139 : memref<1x64xf32, #tpu.memory_space<any>> -> memref<64xf32, #tpu.memory_space<any>>
      tpu.enqueue_dma source(%dma_start3A_140 : memref<64xf32, #tpu.memory_space<any>>) target(%dma_start3A_137 : memref<64xf32, #tpu.memory_space<vmem>>) target_semaphore(%dma_start3A_134 : memref<!tpu.dma_semaphore, #tpu.memory_space<semaphore_mem>>)
      %get3A_141 = arith.constant 8 : index
      %get3A_142 = memref.load %arg1[%get3A_141] : memref<32xi32, #tpu.memory_space<smem>>
      %dma_start3A_143 = arith.constant 8 : i32
      %dma_start3A_144 = arith.constant 8 : i32
      %dma_start3A_145 = tpu.memref_slice %arg10[%dma_start3A_144] : memref<32x!tpu.dma_semaphore, #tpu.memory_space<semaphore_mem>> -> memref<1x!tpu.dma_semaphore, #tpu.memory_space<semaphore_mem>>
      %dma_start3A_146 = tpu.memref_squeeze %dma_start3A_145 : memref<1x!tpu.dma_semaphore, #tpu.memory_space<semaphore_mem>> -> memref<!tpu.dma_semaphore, #tpu.memory_space<semaphore_mem>>
      %dma_start3A_147 = arith.constant 0 : i32
      %dma_start3A_148 = tpu.memref_slice %arg9[%dma_start3A_143, %dma_start3A_147] : memref<32x64xf32, #tpu.memory_space<vmem>> -> memref<1x64xf32, #tpu.memory_space<vmem>>
      %dma_start3A_149 = tpu.memref_squeeze %dma_start3A_148 : memref<1x64xf32, #tpu.memory_space<vmem>> -> memref<64xf32, #tpu.memory_space<vmem>>
      %dma_start3A_150 = arith.constant 0 : i32
      %dma_start3A_151 = tpu.memref_slice %arg2[%get3A_142, %dma_start3A_150] : memref<1000000x64xf32, #tpu.memory_space<any>> -> memref<1x64xf32, #tpu.memory_space<any>>
      %dma_start3A_152 = tpu.memref_squeeze %dma_start3A_151 : memref<1x64xf32, #tpu.memory_space<any>> -> memref<64xf32, #tpu.memory_space<any>>
      tpu.enqueue_dma source(%dma_start3A_152 : memref<64xf32, #tpu.memory_space<any>>) target(%dma_start3A_149 : memref<64xf32, #tpu.memory_space<vmem>>) target_semaphore(%dma_start3A_146 : memref<!tpu.dma_semaphore, #tpu.memory_space<semaphore_mem>>)
      %get3A_153 = arith.constant 9 : index
      %get3A_154 = memref.load %arg1[%get3A_153] : memref<32xi32, #tpu.memory_space<smem>>
      %dma_start3A_155 = arith.constant 9 : i32
      %dma_start3A_156 = arith.constant 9 : i32
      %dma_start3A_157 = tpu.memref_slice %arg10[%dma_start3A_156] : memref<32x!tpu.dma_semaphore, #tpu.memory_space<semaphore_mem>> -> memref<1x!tpu.dma_semaphore, #tpu.memory_space<semaphore_mem>>
      %dma_start3A_158 = tpu.memref_squeeze %dma_start3A_157 : memref<1x!tpu.dma_semaphore, #tpu.memory_space<semaphore_mem>> -> memref<!tpu.dma_semaphore, #tpu.memory_space<semaphore_mem>>
      %dma_start3A_159 = arith.constant 0 : i32
      %dma_start3A_160 = tpu.memref_slice %arg9[%dma_start3A_155, %dma_start3A_159] : memref<32x64xf32, #tpu.memory_space<vmem>> -> memref<1x64xf32, #tpu.memory_space<vmem>>
      %dma_start3A_161 = tpu.memref_squeeze %dma_start3A_160 : memref<1x64xf32, #tpu.memory_space<vmem>> -> memref<64xf32, #tpu.memory_space<vmem>>
      %dma_start3A_162 = arith.constant 0 : i32
      %dma_start3A_163 = tpu.memref_slice %arg2[%get3A_154, %dma_start3A_162] : memref<1000000x64xf32, #tpu.memory_space<any>> -> memref<1x64xf32, #tpu.memory_space<any>>
      %dma_start3A_164 = tpu.memref_squeeze %dma_start3A_163 : memref<1x64xf32, #tpu.memory_space<any>> -> memref<64xf32, #tpu.memory_space<any>>
      tpu.enqueue_dma source(%dma_start3A_164 : memref<64xf32, #tpu.memory_space<any>>) target(%dma_start3A_161 : memref<64xf32, #tpu.memory_space<vmem>>) target_semaphore(%dma_start3A_158 : memref<!tpu.dma_semaphore, #tpu.memory_space<semaphore_mem>>)
      %get3A_165 = arith.constant 10 : index
      %get3A_166 = memref.load %arg1[%get3A_165] : memref<32xi32, #tpu.memory_space<smem>>
      %dma_start3A_167 = arith.constant 10 : i32
      %dma_start3A_168 = arith.constant 10 : i32
      %dma_start3A_169 = tpu.memref_slice %arg10[%dma_start3A_168] : memref<32x!tpu.dma_semaphore, #tpu.memory_space<semaphore_mem>> -> memref<1x!tpu.dma_semaphore, #tpu.memory_space<semaphore_mem>>
      %dma_start3A_170 = tpu.memref_squeeze %dma_start3A_169 : memref<1x!tpu.dma_semaphore, #tpu.memory_space<semaphore_mem>> -> memref<!tpu.dma_semaphore, #tpu.memory_space<semaphore_mem>>
      %dma_start3A_171 = arith.constant 0 : i32
      %dma_start3A_172 = tpu.memref_slice %arg9[%dma_start3A_167, %dma_start3A_171] : memref<32x64xf32, #tpu.memory_space<vmem>> -> memref<1x64xf32, #tpu.memory_space<vmem>>
      %dma_start3A_173 = tpu.memref_squeeze %dma_start3A_172 : memref<1x64xf32, #tpu.memory_space<vmem>> -> memref<64xf32, #tpu.memory_space<vmem>>
      %dma_start3A_174 = arith.constant 0 : i32
      %dma_start3A_175 = tpu.memref_slice %arg2[%get3A_166, %dma_start3A_174] : memref<1000000x64xf32, #tpu.memory_space<any>> -> memref<1x64xf32, #tpu.memory_space<any>>
      %dma_start3A_176 = tpu.memref_squeeze %dma_start3A_175 : memref<1x64xf32, #tpu.memory_space<any>> -> memref<64xf32, #tpu.memory_space<any>>
      tpu.enqueue_dma source(%dma_start3A_176 : memref<64xf32, #tpu.memory_space<any>>) target(%dma_start3A_173 : memref<64xf32, #tpu.memory_space<vmem>>) target_semaphore(%dma_start3A_170 : memref<!tpu.dma_semaphore, #tpu.memory_space<semaphore_mem>>)
      %get3A_177 = arith.constant 11 : index
      %get3A_178 = memref.load %arg1[%get3A_177] : memref<32xi32, #tpu.memory_space<smem>>
      %dma_start3A_179 = arith.constant 11 : i32
      %dma_start3A_180 = arith.constant 11 : i32
      %dma_start3A_181 = tpu.memref_slice %arg10[%dma_start3A_180] : memref<32x!tpu.dma_semaphore, #tpu.memory_space<semaphore_mem>> -> memref<1x!tpu.dma_semaphore, #tpu.memory_space<semaphore_mem>>
      %dma_start3A_182 = tpu.memref_squeeze %dma_start3A_181 : memref<1x!tpu.dma_semaphore, #tpu.memory_space<semaphore_mem>> -> memref<!tpu.dma_semaphore, #tpu.memory_space<semaphore_mem>>
      %dma_start3A_183 = arith.constant 0 : i32
      %dma_start3A_184 = tpu.memref_slice %arg9[%dma_start3A_179, %dma_start3A_183] : memref<32x64xf32, #tpu.memory_space<vmem>> -> memref<1x64xf32, #tpu.memory_space<vmem>>
      %dma_start3A_185 = tpu.memref_squeeze %dma_start3A_184 : memref<1x64xf32, #tpu.memory_space<vmem>> -> memref<64xf32, #tpu.memory_space<vmem>>
      %dma_start3A_186 = arith.constant 0 : i32
      %dma_start3A_187 = tpu.memref_slice %arg2[%get3A_178, %dma_start3A_186] : memref<1000000x64xf32, #tpu.memory_space<any>> -> memref<1x64xf32, #tpu.memory_space<any>>
      %dma_start3A_188 = tpu.memref_squeeze %dma_start3A_187 : memref<1x64xf32, #tpu.memory_space<any>> -> memref<64xf32, #tpu.memory_space<any>>
      tpu.enqueue_dma source(%dma_start3A_188 : memref<64xf32, #tpu.memory_space<any>>) target(%dma_start3A_185 : memref<64xf32, #tpu.memory_space<vmem>>) target_semaphore(%dma_start3A_182 : memref<!tpu.dma_semaphore, #tpu.memory_space<semaphore_mem>>)
      %get3A_189 = arith.constant 12 : index
      %get3A_190 = memref.load %arg1[%get3A_189] : memref<32xi32, #tpu.memory_space<smem>>
      %dma_start3A_191 = arith.constant 12 : i32
      %dma_start3A_192 = arith.constant 12 : i32
      %dma_start3A_193 = tpu.memref_slice %arg10[%dma_start3A_192] : memref<32x!tpu.dma_semaphore, #tpu.memory_space<semaphore_mem>> -> memref<1x!tpu.dma_semaphore, #tpu.memory_space<semaphore_mem>>
      %dma_start3A_194 = tpu.memref_squeeze %dma_start3A_193 : memref<1x!tpu.dma_semaphore, #tpu.memory_space<semaphore_mem>> -> memref<!tpu.dma_semaphore, #tpu.memory_space<semaphore_mem>>
      %dma_start3A_195 = arith.constant 0 : i32
      %dma_start3A_196 = tpu.memref_slice %arg9[%dma_start3A_191, %dma_start3A_195] : memref<32x64xf32, #tpu.memory_space<vmem>> -> memref<1x64xf32, #tpu.memory_space<vmem>>
      %dma_start3A_197 = tpu.memref_squeeze %dma_start3A_196 : memref<1x64xf32, #tpu.memory_space<vmem>> -> memref<64xf32, #tpu.memory_space<vmem>>
      %dma_start3A_198 = arith.constant 0 : i32
      %dma_start3A_199 = tpu.memref_slice %arg2[%get3A_190, %dma_start3A_198] : memref<1000000x64xf32, #tpu.memory_space<any>> -> memref<1x64xf32, #tpu.memory_space<any>>
      %dma_start3A_200 = tpu.memref_squeeze %dma_start3A_199 : memref<1x64xf32, #tpu.memory_space<any>> -> memref<64xf32, #tpu.memory_space<any>>
      tpu.enqueue_dma source(%dma_start3A_200 : memref<64xf32, #tpu.memory_space<any>>) target(%dma_start3A_197 : memref<64xf32, #tpu.memory_space<vmem>>) target_semaphore(%dma_start3A_194 : memref<!tpu.dma_semaphore, #tpu.memory_space<semaphore_mem>>)
      %get3A_201 = arith.constant 13 : index
      %get3A_202 = memref.load %arg1[%get3A_201] : memref<32xi32, #tpu.memory_space<smem>>
      %dma_start3A_203 = arith.constant 13 : i32
      %dma_start3A_204 = arith.constant 13 : i32
      %dma_start3A_205 = tpu.memref_slice %arg10[%dma_start3A_204] : memref<32x!tpu.dma_semaphore, #tpu.memory_space<semaphore_mem>> -> memref<1x!tpu.dma_semaphore, #tpu.memory_space<semaphore_mem>>
      %dma_start3A_206 = tpu.memref_squeeze %dma_start3A_205 : memref<1x!tpu.dma_semaphore, #tpu.memory_space<semaphore_mem>> -> memref<!tpu.dma_semaphore, #tpu.memory_space<semaphore_mem>>
      %dma_start3A_207 = arith.constant 0 : i32
      %dma_start3A_208 = tpu.memref_slice %arg9[%dma_start3A_203, %dma_start3A_207] : memref<32x64xf32, #tpu.memory_space<vmem>> -> memref<1x64xf32, #tpu.memory_space<vmem>>
      %dma_start3A_209 = tpu.memref_squeeze %dma_start3A_208 : memref<1x64xf32, #tpu.memory_space<vmem>> -> memref<64xf32, #tpu.memory_space<vmem>>
      %dma_start3A_210 = arith.constant 0 : i32
      %dma_start3A_211 = tpu.memref_slice %arg2[%get3A_202, %dma_start3A_210] : memref<1000000x64xf32, #tpu.memory_space<any>> -> memref<1x64xf32, #tpu.memory_space<any>>
      %dma_start3A_212 = tpu.memref_squeeze %dma_start3A_211 : memref<1x64xf32, #tpu.memory_space<any>> -> memref<64xf32, #tpu.memory_space<any>>
      tpu.enqueue_dma source(%dma_start3A_212 : memref<64xf32, #tpu.memory_space<any>>) target(%dma_start3A_209 : memref<64xf32, #tpu.memory_space<vmem>>) target_semaphore(%dma_start3A_206 : memref<!tpu.dma_semaphore, #tpu.memory_space<semaphore_mem>>)
      %get3A_213 = arith.constant 14 : index
      %get3A_214 = memref.load %arg1[%get3A_213] : memref<32xi32, #tpu.memory_space<smem>>
      %dma_start3A_215 = arith.constant 14 : i32
      %dma_start3A_216 = arith.constant 14 : i32
      %dma_start3A_217 = tpu.memref_slice %arg10[%dma_start3A_216] : memref<32x!tpu.dma_semaphore, #tpu.memory_space<semaphore_mem>> -> memref<1x!tpu.dma_semaphore, #tpu.memory_space<semaphore_mem>>
      %dma_start3A_218 = tpu.memref_squeeze %dma_start3A_217 : memref<1x!tpu.dma_semaphore, #tpu.memory_space<semaphore_mem>> -> memref<!tpu.dma_semaphore, #tpu.memory_space<semaphore_mem>>
      %dma_start3A_219 = arith.constant 0 : i32
      %dma_start3A_220 = tpu.memref_slice %arg9[%dma_start3A_215, %dma_start3A_219] : memref<32x64xf32, #tpu.memory_space<vmem>> -> memref<1x64xf32, #tpu.memory_space<vmem>>
      %dma_start3A_221 = tpu.memref_squeeze %dma_start3A_220 : memref<1x64xf32, #tpu.memory_space<vmem>> -> memref<64xf32, #tpu.memory_space<vmem>>
      %dma_start3A_222 = arith.constant 0 : i32
      %dma_start3A_223 = tpu.memref_slice %arg2[%get3A_214, %dma_start3A_222] : memref<1000000x64xf32, #tpu.memory_space<any>> -> memref<1x64xf32, #tpu.memory_space<any>>
      %dma_start3A_224 = tpu.memref_squeeze %dma_start3A_223 : memref<1x64xf32, #tpu.memory_space<any>> -> memref<64xf32, #tpu.memory_space<any>>
      tpu.enqueue_dma source(%dma_start3A_224 : memref<64xf32, #tpu.memory_space<any>>) target(%dma_start3A_221 : memref<64xf32, #tpu.memory_space<vmem>>) target_semaphore(%dma_start3A_218 : memref<!tpu.dma_semaphore, #tpu.memory_space<semaphore_mem>>)
      %get3A_225 = arith.constant 15 : index
      %get3A_226 = memref.load %arg1[%get3A_225] : memref<32xi32, #tpu.memory_space<smem>>
      %dma_start3A_227 = arith.constant 15 : i32
      %dma_start3A_228 = arith.constant 15 : i32
      %dma_start3A_229 = tpu.memref_slice %arg10[%dma_start3A_228] : memref<32x!tpu.dma_semaphore, #tpu.memory_space<semaphore_mem>> -> memref<1x!tpu.dma_semaphore, #tpu.memory_space<semaphore_mem>>
      %dma_start3A_230 = tpu.memref_squeeze %dma_start3A_229 : memref<1x!tpu.dma_semaphore, #tpu.memory_space<semaphore_mem>> -> memref<!tpu.dma_semaphore, #tpu.memory_space<semaphore_mem>>
      %dma_start3A_231 = arith.constant 0 : i32
      %dma_start3A_232 = tpu.memref_slice %arg9[%dma_start3A_227, %dma_start3A_231] : memref<32x64xf32, #tpu.memory_space<vmem>> -> memref<1x64xf32, #tpu.memory_space<vmem>>
      %dma_start3A_233 = tpu.memref_squeeze %dma_start3A_232 : memref<1x64xf32, #tpu.memory_space<vmem>> -> memref<64xf32, #tpu.memory_space<vmem>>
      %dma_start3A_234 = arith.constant 0 : i32
      %dma_start3A_235 = tpu.memref_slice %arg2[%get3A_226, %dma_start3A_234] : memref<1000000x64xf32, #tpu.memory_space<any>> -> memref<1x64xf32, #tpu.memory_space<any>>
      %dma_start3A_236 = tpu.memref_squeeze %dma_start3A_235 : memref<1x64xf32, #tpu.memory_space<any>> -> memref<64xf32, #tpu.memory_space<any>>
      tpu.enqueue_dma source(%dma_start3A_236 : memref<64xf32, #tpu.memory_space<any>>) target(%dma_start3A_233 : memref<64xf32, #tpu.memory_space<vmem>>) target_semaphore(%dma_start3A_230 : memref<!tpu.dma_semaphore, #tpu.memory_space<semaphore_mem>>)
      %get3A_237 = arith.constant 16 : index
      %get3A_238 = memref.load %arg1[%get3A_237] : memref<32xi32, #tpu.memory_space<smem>>
      %dma_start3A_239 = arith.constant 16 : i32
      %dma_start3A_240 = arith.constant 16 : i32
      %dma_start3A_241 = tpu.memref_slice %arg10[%dma_start3A_240] : memref<32x!tpu.dma_semaphore, #tpu.memory_space<semaphore_mem>> -> memref<1x!tpu.dma_semaphore, #tpu.memory_space<semaphore_mem>>
      %dma_start3A_242 = tpu.memref_squeeze %dma_start3A_241 : memref<1x!tpu.dma_semaphore, #tpu.memory_space<semaphore_mem>> -> memref<!tpu.dma_semaphore, #tpu.memory_space<semaphore_mem>>
      %dma_start3A_243 = arith.constant 0 : i32
      %dma_start3A_244 = tpu.memref_slice %arg9[%dma_start3A_239, %dma_start3A_243] : memref<32x64xf32, #tpu.memory_space<vmem>> -> memref<1x64xf32, #tpu.memory_space<vmem>>
      %dma_start3A_245 = tpu.memref_squeeze %dma_start3A_244 : memref<1x64xf32, #tpu.memory_space<vmem>> -> memref<64xf32, #tpu.memory_space<vmem>>
      %dma_start3A_246 = arith.constant 0 : i32
      %dma_start3A_247 = tpu.memref_slice %arg2[%get3A_238, %dma_start3A_246] : memref<1000000x64xf32, #tpu.memory_space<any>> -> memref<1x64xf32, #tpu.memory_space<any>>
      %dma_start3A_248 = tpu.memref_squeeze %dma_start3A_247 : memref<1x64xf32, #tpu.memory_space<any>> -> memref<64xf32, #tpu.memory_space<any>>
      tpu.enqueue_dma source(%dma_start3A_248 : memref<64xf32, #tpu.memory_space<any>>) target(%dma_start3A_245 : memref<64xf32, #tpu.memory_space<vmem>>) target_semaphore(%dma_start3A_242 : memref<!tpu.dma_semaphore, #tpu.memory_space<semaphore_mem>>)
      %get3A_249 = arith.constant 17 : index
      %get3A_250 = memref.load %arg1[%get3A_249] : memref<32xi32, #tpu.memory_space<smem>>
      %dma_start3A_251 = arith.constant 17 : i32
      %dma_start3A_252 = arith.constant 17 : i32
      %dma_start3A_253 = tpu.memref_slice %arg10[%dma_start3A_252] : memref<32x!tpu.dma_semaphore, #tpu.memory_space<semaphore_mem>> -> memref<1x!tpu.dma_semaphore, #tpu.memory_space<semaphore_mem>>
      %dma_start3A_254 = tpu.memref_squeeze %dma_start3A_253 : memref<1x!tpu.dma_semaphore, #tpu.memory_space<semaphore_mem>> -> memref<!tpu.dma_semaphore, #tpu.memory_space<semaphore_mem>>
      %dma_start3A_255 = arith.constant 0 : i32
      %dma_start3A_256 = tpu.memref_slice %arg9[%dma_start3A_251, %dma_start3A_255] : memref<32x64xf32, #tpu.memory_space<vmem>> -> memref<1x64xf32, #tpu.memory_space<vmem>>
      %dma_start3A_257 = tpu.memref_squeeze %dma_start3A_256 : memref<1x64xf32, #tpu.memory_space<vmem>> -> memref<64xf32, #tpu.memory_space<vmem>>
      %dma_start3A_258 = arith.constant 0 : i32
      %dma_start3A_259 = tpu.memref_slice %arg2[%get3A_250, %dma_start3A_258] : memref<1000000x64xf32, #tpu.memory_space<any>> -> memref<1x64xf32, #tpu.memory_space<any>>
      %dma_start3A_260 = tpu.memref_squeeze %dma_start3A_259 : memref<1x64xf32, #tpu.memory_space<any>> -> memref<64xf32, #tpu.memory_space<any>>
      tpu.enqueue_dma source(%dma_start3A_260 : memref<64xf32, #tpu.memory_space<any>>) target(%dma_start3A_257 : memref<64xf32, #tpu.memory_space<vmem>>) target_semaphore(%dma_start3A_254 : memref<!tpu.dma_semaphore, #tpu.memory_space<semaphore_mem>>)
      %get3A_261 = arith.constant 18 : index
      %get3A_262 = memref.load %arg1[%get3A_261] : memref<32xi32, #tpu.memory_space<smem>>
      %dma_start3A_263 = arith.constant 18 : i32
      %dma_start3A_264 = arith.constant 18 : i32
      %dma_start3A_265 = tpu.memref_slice %arg10[%dma_start3A_264] : memref<32x!tpu.dma_semaphore, #tpu.memory_space<semaphore_mem>> -> memref<1x!tpu.dma_semaphore, #tpu.memory_space<semaphore_mem>>
      %dma_start3A_266 = tpu.memref_squeeze %dma_start3A_265 : memref<1x!tpu.dma_semaphore, #tpu.memory_space<semaphore_mem>> -> memref<!tpu.dma_semaphore, #tpu.memory_space<semaphore_mem>>
      %dma_start3A_267 = arith.constant 0 : i32
      %dma_start3A_268 = tpu.memref_slice %arg9[%dma_start3A_263, %dma_start3A_267] : memref<32x64xf32, #tpu.memory_space<vmem>> -> memref<1x64xf32, #tpu.memory_space<vmem>>
      %dma_start3A_269 = tpu.memref_squeeze %dma_start3A_268 : memref<1x64xf32, #tpu.memory_space<vmem>> -> memref<64xf32, #tpu.memory_space<vmem>>
      %dma_start3A_270 = arith.constant 0 : i32
      %dma_start3A_271 = tpu.memref_slice %arg2[%get3A_262, %dma_start3A_270] : memref<1000000x64xf32, #tpu.memory_space<any>> -> memref<1x64xf32, #tpu.memory_space<any>>
      %dma_start3A_272 = tpu.memref_squeeze %dma_start3A_271 : memref<1x64xf32, #tpu.memory_space<any>> -> memref<64xf32, #tpu.memory_space<any>>
      tpu.enqueue_dma source(%dma_start3A_272 : memref<64xf32, #tpu.memory_space<any>>) target(%dma_start3A_269 : memref<64xf32, #tpu.memory_space<vmem>>) target_semaphore(%dma_start3A_266 : memref<!tpu.dma_semaphore, #tpu.memory_space<semaphore_mem>>)
      %get3A_273 = arith.constant 19 : index
      %get3A_274 = memref.load %arg1[%get3A_273] : memref<32xi32, #tpu.memory_space<smem>>
      %dma_start3A_275 = arith.constant 19 : i32
      %dma_start3A_276 = arith.constant 19 : i32
      %dma_start3A_277 = tpu.memref_slice %arg10[%dma_start3A_276] : memref<32x!tpu.dma_semaphore, #tpu.memory_space<semaphore_mem>> -> memref<1x!tpu.dma_semaphore, #tpu.memory_space<semaphore_mem>>
      %dma_start3A_278 = tpu.memref_squeeze %dma_start3A_277 : memref<1x!tpu.dma_semaphore, #tpu.memory_space<semaphore_mem>> -> memref<!tpu.dma_semaphore, #tpu.memory_space<semaphore_mem>>
      %dma_start3A_279 = arith.constant 0 : i32
      %dma_start3A_280 = tpu.memref_slice %arg9[%dma_start3A_275, %dma_start3A_279] : memref<32x64xf32, #tpu.memory_space<vmem>> -> memref<1x64xf32, #tpu.memory_space<vmem>>
      %dma_start3A_281 = tpu.memref_squeeze %dma_start3A_280 : memref<1x64xf32, #tpu.memory_space<vmem>> -> memref<64xf32, #tpu.memory_space<vmem>>
      %dma_start3A_282 = arith.constant 0 : i32
      %dma_start3A_283 = tpu.memref_slice %arg2[%get3A_274, %dma_start3A_282] : memref<1000000x64xf32, #tpu.memory_space<any>> -> memref<1x64xf32, #tpu.memory_space<any>>
      %dma_start3A_284 = tpu.memref_squeeze %dma_start3A_283 : memref<1x64xf32, #tpu.memory_space<any>> -> memref<64xf32, #tpu.memory_space<any>>
      tpu.enqueue_dma source(%dma_start3A_284 : memref<64xf32, #tpu.memory_space<any>>) target(%dma_start3A_281 : memref<64xf32, #tpu.memory_space<vmem>>) target_semaphore(%dma_start3A_278 : memref<!tpu.dma_semaphore, #tpu.memory_space<semaphore_mem>>)
      %get3A_285 = arith.constant 20 : index
      %get3A_286 = memref.load %arg1[%get3A_285] : memref<32xi32, #tpu.memory_space<smem>>
      %dma_start3A_287 = arith.constant 20 : i32
      %dma_start3A_288 = arith.constant 20 : i32
      %dma_start3A_289 = tpu.memref_slice %arg10[%dma_start3A_288] : memref<32x!tpu.dma_semaphore, #tpu.memory_space<semaphore_mem>> -> memref<1x!tpu.dma_semaphore, #tpu.memory_space<semaphore_mem>>
      %dma_start3A_290 = tpu.memref_squeeze %dma_start3A_289 : memref<1x!tpu.dma_semaphore, #tpu.memory_space<semaphore_mem>> -> memref<!tpu.dma_semaphore, #tpu.memory_space<semaphore_mem>>
      %dma_start3A_291 = arith.constant 0 : i32
      %dma_start3A_292 = tpu.memref_slice %arg9[%dma_start3A_287, %dma_start3A_291] : memref<32x64xf32, #tpu.memory_space<vmem>> -> memref<1x64xf32, #tpu.memory_space<vmem>>
      %dma_start3A_293 = tpu.memref_squeeze %dma_start3A_292 : memref<1x64xf32, #tpu.memory_space<vmem>> -> memref<64xf32, #tpu.memory_space<vmem>>
      %dma_start3A_294 = arith.constant 0 : i32
      %dma_start3A_295 = tpu.memref_slice %arg2[%get3A_286, %dma_start3A_294] : memref<1000000x64xf32, #tpu.memory_space<any>> -> memref<1x64xf32, #tpu.memory_space<any>>
      %dma_start3A_296 = tpu.memref_squeeze %dma_start3A_295 : memref<1x64xf32, #tpu.memory_space<any>> -> memref<64xf32, #tpu.memory_space<any>>
      tpu.enqueue_dma source(%dma_start3A_296 : memref<64xf32, #tpu.memory_space<any>>) target(%dma_start3A_293 : memref<64xf32, #tpu.memory_space<vmem>>) target_semaphore(%dma_start3A_290 : memref<!tpu.dma_semaphore, #tpu.memory_space<semaphore_mem>>)
      %get3A_297 = arith.constant 21 : index
      %get3A_298 = memref.load %arg1[%get3A_297] : memref<32xi32, #tpu.memory_space<smem>>
      %dma_start3A_299 = arith.constant 21 : i32
      %dma_start3A_300 = arith.constant 21 : i32
      %dma_start3A_301 = tpu.memref_slice %arg10[%dma_start3A_300] : memref<32x!tpu.dma_semaphore, #tpu.memory_space<semaphore_mem>> -> memref<1x!tpu.dma_semaphore, #tpu.memory_space<semaphore_mem>>
      %dma_start3A_302 = tpu.memref_squeeze %dma_start3A_301 : memref<1x!tpu.dma_semaphore, #tpu.memory_space<semaphore_mem>> -> memref<!tpu.dma_semaphore, #tpu.memory_space<semaphore_mem>>
      %dma_start3A_303 = arith.constant 0 : i32
      %dma_start3A_304 = tpu.memref_slice %arg9[%dma_start3A_299, %dma_start3A_303] : memref<32x64xf32, #tpu.memory_space<vmem>> -> memref<1x64xf32, #tpu.memory_space<vmem>>
      %dma_start3A_305 = tpu.memref_squeeze %dma_start3A_304 : memref<1x64xf32, #tpu.memory_space<vmem>> -> memref<64xf32, #tpu.memory_space<vmem>>
      %dma_start3A_306 = arith.constant 0 : i32
      %dma_start3A_307 = tpu.memref_slice %arg2[%get3A_298, %dma_start3A_306] : memref<1000000x64xf32, #tpu.memory_space<any>> -> memref<1x64xf32, #tpu.memory_space<any>>
      %dma_start3A_308 = tpu.memref_squeeze %dma_start3A_307 : memref<1x64xf32, #tpu.memory_space<any>> -> memref<64xf32, #tpu.memory_space<any>>
      tpu.enqueue_dma source(%dma_start3A_308 : memref<64xf32, #tpu.memory_space<any>>) target(%dma_start3A_305 : memref<64xf32, #tpu.memory_space<vmem>>) target_semaphore(%dma_start3A_302 : memref<!tpu.dma_semaphore, #tpu.memory_space<semaphore_mem>>)
      %get3A_309 = arith.constant 22 : index
      %get3A_310 = memref.load %arg1[%get3A_309] : memref<32xi32, #tpu.memory_space<smem>>
      %dma_start3A_311 = arith.constant 22 : i32
      %dma_start3A_312 = arith.constant 22 : i32
      %dma_start3A_313 = tpu.memref_slice %arg10[%dma_start3A_312] : memref<32x!tpu.dma_semaphore, #tpu.memory_space<semaphore_mem>> -> memref<1x!tpu.dma_semaphore, #tpu.memory_space<semaphore_mem>>
      %dma_start3A_314 = tpu.memref_squeeze %dma_start3A_313 : memref<1x!tpu.dma_semaphore, #tpu.memory_space<semaphore_mem>> -> memref<!tpu.dma_semaphore, #tpu.memory_space<semaphore_mem>>
      %dma_start3A_315 = arith.constant 0 : i32
      %dma_start3A_316 = tpu.memref_slice %arg9[%dma_start3A_311, %dma_start3A_315] : memref<32x64xf32, #tpu.memory_space<vmem>> -> memref<1x64xf32, #tpu.memory_space<vmem>>
      %dma_start3A_317 = tpu.memref_squeeze %dma_start3A_316 : memref<1x64xf32, #tpu.memory_space<vmem>> -> memref<64xf32, #tpu.memory_space<vmem>>
      %dma_start3A_318 = arith.constant 0 : i32
      %dma_start3A_319 = tpu.memref_slice %arg2[%get3A_310, %dma_start3A_318] : memref<1000000x64xf32, #tpu.memory_space<any>> -> memref<1x64xf32, #tpu.memory_space<any>>
      %dma_start3A_320 = tpu.memref_squeeze %dma_start3A_319 : memref<1x64xf32, #tpu.memory_space<any>> -> memref<64xf32, #tpu.memory_space<any>>
      tpu.enqueue_dma source(%dma_start3A_320 : memref<64xf32, #tpu.memory_space<any>>) target(%dma_start3A_317 : memref<64xf32, #tpu.memory_space<vmem>>) target_semaphore(%dma_start3A_314 : memref<!tpu.dma_semaphore, #tpu.memory_space<semaphore_mem>>)
      %get3A_321 = arith.constant 23 : index
      %get3A_322 = memref.load %arg1[%get3A_321] : memref<32xi32, #tpu.memory_space<smem>>
      %dma_start3A_323 = arith.constant 23 : i32
      %dma_start3A_324 = arith.constant 23 : i32
      %dma_start3A_325 = tpu.memref_slice %arg10[%dma_start3A_324] : memref<32x!tpu.dma_semaphore, #tpu.memory_space<semaphore_mem>> -> memref<1x!tpu.dma_semaphore, #tpu.memory_space<semaphore_mem>>
      %dma_start3A_326 = tpu.memref_squeeze %dma_start3A_325 : memref<1x!tpu.dma_semaphore, #tpu.memory_space<semaphore_mem>> -> memref<!tpu.dma_semaphore, #tpu.memory_space<semaphore_mem>>
      %dma_start3A_327 = arith.constant 0 : i32
      %dma_start3A_328 = tpu.memref_slice %arg9[%dma_start3A_323, %dma_start3A_327] : memref<32x64xf32, #tpu.memory_space<vmem>> -> memref<1x64xf32, #tpu.memory_space<vmem>>
      %dma_start3A_329 = tpu.memref_squeeze %dma_start3A_328 : memref<1x64xf32, #tpu.memory_space<vmem>> -> memref<64xf32, #tpu.memory_space<vmem>>
      %dma_start3A_330 = arith.constant 0 : i32
      %dma_start3A_331 = tpu.memref_slice %arg2[%get3A_322, %dma_start3A_330] : memref<1000000x64xf32, #tpu.memory_space<any>> -> memref<1x64xf32, #tpu.memory_space<any>>
      %dma_start3A_332 = tpu.memref_squeeze %dma_start3A_331 : memref<1x64xf32, #tpu.memory_space<any>> -> memref<64xf32, #tpu.memory_space<any>>
      tpu.enqueue_dma source(%dma_start3A_332 : memref<64xf32, #tpu.memory_space<any>>) target(%dma_start3A_329 : memref<64xf32, #tpu.memory_space<vmem>>) target_semaphore(%dma_start3A_326 : memref<!tpu.dma_semaphore, #tpu.memory_space<semaphore_mem>>)
      %get3A_333 = arith.constant 24 : index
      %get3A_334 = memref.load %arg1[%get3A_333] : memref<32xi32, #tpu.memory_space<smem>>
      %dma_start3A_335 = arith.constant 24 : i32
      %dma_start3A_336 = arith.constant 24 : i32
      %dma_start3A_337 = tpu.memref_slice %arg10[%dma_start3A_336] : memref<32x!tpu.dma_semaphore, #tpu.memory_space<semaphore_mem>> -> memref<1x!tpu.dma_semaphore, #tpu.memory_space<semaphore_mem>>
      %dma_start3A_338 = tpu.memref_squeeze %dma_start3A_337 : memref<1x!tpu.dma_semaphore, #tpu.memory_space<semaphore_mem>> -> memref<!tpu.dma_semaphore, #tpu.memory_space<semaphore_mem>>
      %dma_start3A_339 = arith.constant 0 : i32
      %dma_start3A_340 = tpu.memref_slice %arg9[%dma_start3A_335, %dma_start3A_339] : memref<32x64xf32, #tpu.memory_space<vmem>> -> memref<1x64xf32, #tpu.memory_space<vmem>>
      %dma_start3A_341 = tpu.memref_squeeze %dma_start3A_340 : memref<1x64xf32, #tpu.memory_space<vmem>> -> memref<64xf32, #tpu.memory_space<vmem>>
      %dma_start3A_342 = arith.constant 0 : i32
      %dma_start3A_343 = tpu.memref_slice %arg2[%get3A_334, %dma_start3A_342] : memref<1000000x64xf32, #tpu.memory_space<any>> -> memref<1x64xf32, #tpu.memory_space<any>>
      %dma_start3A_344 = tpu.memref_squeeze %dma_start3A_343 : memref<1x64xf32, #tpu.memory_space<any>> -> memref<64xf32, #tpu.memory_space<any>>
      tpu.enqueue_dma source(%dma_start3A_344 : memref<64xf32, #tpu.memory_space<any>>) target(%dma_start3A_341 : memref<64xf32, #tpu.memory_space<vmem>>) target_semaphore(%dma_start3A_338 : memref<!tpu.dma_semaphore, #tpu.memory_space<semaphore_mem>>)
      %get3A_345 = arith.constant 25 : index
      %get3A_346 = memref.load %arg1[%get3A_345] : memref<32xi32, #tpu.memory_space<smem>>
      %dma_start3A_347 = arith.constant 25 : i32
      %dma_start3A_348 = arith.constant 25 : i32
      %dma_start3A_349 = tpu.memref_slice %arg10[%dma_start3A_348] : memref<32x!tpu.dma_semaphore, #tpu.memory_space<semaphore_mem>> -> memref<1x!tpu.dma_semaphore, #tpu.memory_space<semaphore_mem>>
      %dma_start3A_350 = tpu.memref_squeeze %dma_start3A_349 : memref<1x!tpu.dma_semaphore, #tpu.memory_space<semaphore_mem>> -> memref<!tpu.dma_semaphore, #tpu.memory_space<semaphore_mem>>
      %dma_start3A_351 = arith.constant 0 : i32
      %dma_start3A_352 = tpu.memref_slice %arg9[%dma_start3A_347, %dma_start3A_351] : memref<32x64xf32, #tpu.memory_space<vmem>> -> memref<1x64xf32, #tpu.memory_space<vmem>>
      %dma_start3A_353 = tpu.memref_squeeze %dma_start3A_352 : memref<1x64xf32, #tpu.memory_space<vmem>> -> memref<64xf32, #tpu.memory_space<vmem>>
      %dma_start3A_354 = arith.constant 0 : i32
      %dma_start3A_355 = tpu.memref_slice %arg2[%get3A_346, %dma_start3A_354] : memref<1000000x64xf32, #tpu.memory_space<any>> -> memref<1x64xf32, #tpu.memory_space<any>>
      %dma_start3A_356 = tpu.memref_squeeze %dma_start3A_355 : memref<1x64xf32, #tpu.memory_space<any>> -> memref<64xf32, #tpu.memory_space<any>>
      tpu.enqueue_dma source(%dma_start3A_356 : memref<64xf32, #tpu.memory_space<any>>) target(%dma_start3A_353 : memref<64xf32, #tpu.memory_space<vmem>>) target_semaphore(%dma_start3A_350 : memref<!tpu.dma_semaphore, #tpu.memory_space<semaphore_mem>>)
      %get3A_357 = arith.constant 26 : index
      %get3A_358 = memref.load %arg1[%get3A_357] : memref<32xi32, #tpu.memory_space<smem>>
      %dma_start3A_359 = arith.constant 26 : i32
      %dma_start3A_360 = arith.constant 26 : i32
      %dma_start3A_361 = tpu.memref_slice %arg10[%dma_start3A_360] : memref<32x!tpu.dma_semaphore, #tpu.memory_space<semaphore_mem>> -> memref<1x!tpu.dma_semaphore, #tpu.memory_space<semaphore_mem>>
      %dma_start3A_362 = tpu.memref_squeeze %dma_start3A_361 : memref<1x!tpu.dma_semaphore, #tpu.memory_space<semaphore_mem>> -> memref<!tpu.dma_semaphore, #tpu.memory_space<semaphore_mem>>
      %dma_start3A_363 = arith.constant 0 : i32
      %dma_start3A_364 = tpu.memref_slice %arg9[%dma_start3A_359, %dma_start3A_363] : memref<32x64xf32, #tpu.memory_space<vmem>> -> memref<1x64xf32, #tpu.memory_space<vmem>>
      %dma_start3A_365 = tpu.memref_squeeze %dma_start3A_364 : memref<1x64xf32, #tpu.memory_space<vmem>> -> memref<64xf32, #tpu.memory_space<vmem>>
      %dma_start3A_366 = arith.constant 0 : i32
      %dma_start3A_367 = tpu.memref_slice %arg2[%get3A_358, %dma_start3A_366] : memref<1000000x64xf32, #tpu.memory_space<any>> -> memref<1x64xf32, #tpu.memory_space<any>>
      %dma_start3A_368 = tpu.memref_squeeze %dma_start3A_367 : memref<1x64xf32, #tpu.memory_space<any>> -> memref<64xf32, #tpu.memory_space<any>>
      tpu.enqueue_dma source(%dma_start3A_368 : memref<64xf32, #tpu.memory_space<any>>) target(%dma_start3A_365 : memref<64xf32, #tpu.memory_space<vmem>>) target_semaphore(%dma_start3A_362 : memref<!tpu.dma_semaphore, #tpu.memory_space<semaphore_mem>>)
      %get3A_369 = arith.constant 27 : index
      %get3A_370 = memref.load %arg1[%get3A_369] : memref<32xi32, #tpu.memory_space<smem>>
      %dma_start3A_371 = arith.constant 27 : i32
      %dma_start3A_372 = arith.constant 27 : i32
      %dma_start3A_373 = tpu.memref_slice %arg10[%dma_start3A_372] : memref<32x!tpu.dma_semaphore, #tpu.memory_space<semaphore_mem>> -> memref<1x!tpu.dma_semaphore, #tpu.memory_space<semaphore_mem>>
      %dma_start3A_374 = tpu.memref_squeeze %dma_start3A_373 : memref<1x!tpu.dma_semaphore, #tpu.memory_space<semaphore_mem>> -> memref<!tpu.dma_semaphore, #tpu.memory_space<semaphore_mem>>
      %dma_start3A_375 = arith.constant 0 : i32
      %dma_start3A_376 = tpu.memref_slice %arg9[%dma_start3A_371, %dma_start3A_375] : memref<32x64xf32, #tpu.memory_space<vmem>> -> memref<1x64xf32, #tpu.memory_space<vmem>>
      %dma_start3A_377 = tpu.memref_squeeze %dma_start3A_376 : memref<1x64xf32, #tpu.memory_space<vmem>> -> memref<64xf32, #tpu.memory_space<vmem>>
      %dma_start3A_378 = arith.constant 0 : i32
      %dma_start3A_379 = tpu.memref_slice %arg2[%get3A_370, %dma_start3A_378] : memref<1000000x64xf32, #tpu.memory_space<any>> -> memref<1x64xf32, #tpu.memory_space<any>>
      %dma_start3A_380 = tpu.memref_squeeze %dma_start3A_379 : memref<1x64xf32, #tpu.memory_space<any>> -> memref<64xf32, #tpu.memory_space<any>>
      tpu.enqueue_dma source(%dma_start3A_380 : memref<64xf32, #tpu.memory_space<any>>) target(%dma_start3A_377 : memref<64xf32, #tpu.memory_space<vmem>>) target_semaphore(%dma_start3A_374 : memref<!tpu.dma_semaphore, #tpu.memory_space<semaphore_mem>>)
      %get3A_381 = arith.constant 28 : index
      %get3A_382 = memref.load %arg1[%get3A_381] : memref<32xi32, #tpu.memory_space<smem>>
      %dma_start3A_383 = arith.constant 28 : i32
      %dma_start3A_384 = arith.constant 28 : i32
      %dma_start3A_385 = tpu.memref_slice %arg10[%dma_start3A_384] : memref<32x!tpu.dma_semaphore, #tpu.memory_space<semaphore_mem>> -> memref<1x!tpu.dma_semaphore, #tpu.memory_space<semaphore_mem>>
      %dma_start3A_386 = tpu.memref_squeeze %dma_start3A_385 : memref<1x!tpu.dma_semaphore, #tpu.memory_space<semaphore_mem>> -> memref<!tpu.dma_semaphore, #tpu.memory_space<semaphore_mem>>
      %dma_start3A_387 = arith.constant 0 : i32
      %dma_start3A_388 = tpu.memref_slice %arg9[%dma_start3A_383, %dma_start3A_387] : memref<32x64xf32, #tpu.memory_space<vmem>> -> memref<1x64xf32, #tpu.memory_space<vmem>>
      %dma_start3A_389 = tpu.memref_squeeze %dma_start3A_388 : memref<1x64xf32, #tpu.memory_space<vmem>> -> memref<64xf32, #tpu.memory_space<vmem>>
      %dma_start3A_390 = arith.constant 0 : i32
      %dma_start3A_391 = tpu.memref_slice %arg2[%get3A_382, %dma_start3A_390] : memref<1000000x64xf32, #tpu.memory_space<any>> -> memref<1x64xf32, #tpu.memory_space<any>>
      %dma_start3A_392 = tpu.memref_squeeze %dma_start3A_391 : memref<1x64xf32, #tpu.memory_space<any>> -> memref<64xf32, #tpu.memory_space<any>>
      tpu.enqueue_dma source(%dma_start3A_392 : memref<64xf32, #tpu.memory_space<any>>) target(%dma_start3A_389 : memref<64xf32, #tpu.memory_space<vmem>>) target_semaphore(%dma_start3A_386 : memref<!tpu.dma_semaphore, #tpu.memory_space<semaphore_mem>>)
      %get3A_393 = arith.constant 29 : index
      %get3A_394 = memref.load %arg1[%get3A_393] : memref<32xi32, #tpu.memory_space<smem>>
      %dma_start3A_395 = arith.constant 29 : i32
      %dma_start3A_396 = arith.constant 29 : i32
      %dma_start3A_397 = tpu.memref_slice %arg10[%dma_start3A_396] : memref<32x!tpu.dma_semaphore, #tpu.memory_space<semaphore_mem>> -> memref<1x!tpu.dma_semaphore, #tpu.memory_space<semaphore_mem>>
      %dma_start3A_398 = tpu.memref_squeeze %dma_start3A_397 : memref<1x!tpu.dma_semaphore, #tpu.memory_space<semaphore_mem>> -> memref<!tpu.dma_semaphore, #tpu.memory_space<semaphore_mem>>
      %dma_start3A_399 = arith.constant 0 : i32
      %dma_start3A_400 = tpu.memref_slice %arg9[%dma_start3A_395, %dma_start3A_399] : memref<32x64xf32, #tpu.memory_space<vmem>> -> memref<1x64xf32, #tpu.memory_space<vmem>>
      %dma_start3A_401 = tpu.memref_squeeze %dma_start3A_400 : memref<1x64xf32, #tpu.memory_space<vmem>> -> memref<64xf32, #tpu.memory_space<vmem>>
      %dma_start3A_402 = arith.constant 0 : i32
      %dma_start3A_403 = tpu.memref_slice %arg2[%get3A_394, %dma_start3A_402] : memref<1000000x64xf32, #tpu.memory_space<any>> -> memref<1x64xf32, #tpu.memory_space<any>>
      %dma_start3A_404 = tpu.memref_squeeze %dma_start3A_403 : memref<1x64xf32, #tpu.memory_space<any>> -> memref<64xf32, #tpu.memory_space<any>>
      tpu.enqueue_dma source(%dma_start3A_404 : memref<64xf32, #tpu.memory_space<any>>) target(%dma_start3A_401 : memref<64xf32, #tpu.memory_space<vmem>>) target_semaphore(%dma_start3A_398 : memref<!tpu.dma_semaphore, #tpu.memory_space<semaphore_mem>>)
      %get3A_405 = arith.constant 30 : index
      %get3A_406 = memref.load %arg1[%get3A_405] : memref<32xi32, #tpu.memory_space<smem>>
      %dma_start3A_407 = arith.constant 30 : i32
      %dma_start3A_408 = arith.constant 30 : i32
      %dma_start3A_409 = tpu.memref_slice %arg10[%dma_start3A_408] : memref<32x!tpu.dma_semaphore, #tpu.memory_space<semaphore_mem>> -> memref<1x!tpu.dma_semaphore, #tpu.memory_space<semaphore_mem>>
      %dma_start3A_410 = tpu.memref_squeeze %dma_start3A_409 : memref<1x!tpu.dma_semaphore, #tpu.memory_space<semaphore_mem>> -> memref<!tpu.dma_semaphore, #tpu.memory_space<semaphore_mem>>
      %dma_start3A_411 = arith.constant 0 : i32
      %dma_start3A_412 = tpu.memref_slice %arg9[%dma_start3A_407, %dma_start3A_411] : memref<32x64xf32, #tpu.memory_space<vmem>> -> memref<1x64xf32, #tpu.memory_space<vmem>>
      %dma_start3A_413 = tpu.memref_squeeze %dma_start3A_412 : memref<1x64xf32, #tpu.memory_space<vmem>> -> memref<64xf32, #tpu.memory_space<vmem>>
      %dma_start3A_414 = arith.constant 0 : i32
      %dma_start3A_415 = tpu.memref_slice %arg2[%get3A_406, %dma_start3A_414] : memref<1000000x64xf32, #tpu.memory_space<any>> -> memref<1x64xf32, #tpu.memory_space<any>>
      %dma_start3A_416 = tpu.memref_squeeze %dma_start3A_415 : memref<1x64xf32, #tpu.memory_space<any>> -> memref<64xf32, #tpu.memory_space<any>>
      tpu.enqueue_dma source(%dma_start3A_416 : memref<64xf32, #tpu.memory_space<any>>) target(%dma_start3A_413 : memref<64xf32, #tpu.memory_space<vmem>>) target_semaphore(%dma_start3A_410 : memref<!tpu.dma_semaphore, #tpu.memory_space<semaphore_mem>>)
      %get3A_417 = arith.constant 31 : index
      %get3A_418 = memref.load %arg1[%get3A_417] : memref<32xi32, #tpu.memory_space<smem>>
      %dma_start3A_419 = arith.constant 31 : i32
      %dma_start3A_420 = arith.constant 31 : i32
      %dma_start3A_421 = tpu.memref_slice %arg10[%dma_start3A_420] : memref<32x!tpu.dma_semaphore, #tpu.memory_space<semaphore_mem>> -> memref<1x!tpu.dma_semaphore, #tpu.memory_space<semaphore_mem>>
      %dma_start3A_422 = tpu.memref_squeeze %dma_start3A_421 : memref<1x!tpu.dma_semaphore, #tpu.memory_space<semaphore_mem>> -> memref<!tpu.dma_semaphore, #tpu.memory_space<semaphore_mem>>
      %dma_start3A_423 = arith.constant 0 : i32
      %dma_start3A_424 = tpu.memref_slice %arg9[%dma_start3A_419, %dma_start3A_423] : memref<32x64xf32, #tpu.memory_space<vmem>> -> memref<1x64xf32, #tpu.memory_space<vmem>>
      %dma_start3A_425 = tpu.memref_squeeze %dma_start3A_424 : memref<1x64xf32, #tpu.memory_space<vmem>> -> memref<64xf32, #tpu.memory_space<vmem>>
      %dma_start3A_426 = arith.constant 0 : i32
      %dma_start3A_427 = tpu.memref_slice %arg2[%get3A_418, %dma_start3A_426] : memref<1000000x64xf32, #tpu.memory_space<any>> -> memref<1x64xf32, #tpu.memory_space<any>>
      %dma_start3A_428 = tpu.memref_squeeze %dma_start3A_427 : memref<1x64xf32, #tpu.memory_space<any>> -> memref<64xf32, #tpu.memory_space<any>>
      tpu.enqueue_dma source(%dma_start3A_428 : memref<64xf32, #tpu.memory_space<any>>) target(%dma_start3A_425 : memref<64xf32, #tpu.memory_space<vmem>>) target_semaphore(%dma_start3A_422 : memref<!tpu.dma_semaphore, #tpu.memory_space<semaphore_mem>>)
      %get3A_429 = arith.constant 0 : index
      %get3A_430 = memref.load %arg1[%get3A_429] : memref<32xi32, #tpu.memory_space<smem>>
      %dma_wait3A = arith.constant 0 : i32
      %dma_wait3A_431 = arith.constant 0 : i32
      %dma_wait3A_432 = tpu.memref_slice %arg10[%dma_wait3A_431] : memref<32x!tpu.dma_semaphore, #tpu.memory_space<semaphore_mem>> -> memref<1x!tpu.dma_semaphore, #tpu.memory_space<semaphore_mem>>
      %dma_wait3A_433 = tpu.memref_squeeze %dma_wait3A_432 : memref<1x!tpu.dma_semaphore, #tpu.memory_space<semaphore_mem>> -> memref<!tpu.dma_semaphore, #tpu.memory_space<semaphore_mem>>
      %dma_wait3A_434 = arith.constant 0 : i32
      %dma_wait3A_435 = tpu.memref_slice %arg9[%dma_wait3A, %dma_wait3A_434] : memref<32x64xf32, #tpu.memory_space<vmem>> -> memref<1x64xf32, #tpu.memory_space<vmem>>
      %dma_wait3A_436 = tpu.memref_squeeze %dma_wait3A_435 : memref<1x64xf32, #tpu.memory_space<vmem>> -> memref<64xf32, #tpu.memory_space<vmem>>
      %dma_wait3A_437 = arith.constant 0 : i32
      %dma_wait3A_438 = tpu.memref_slice %arg2[%get3A_430, %dma_wait3A_437] : memref<1000000x64xf32, #tpu.memory_space<any>> -> memref<1x64xf32, #tpu.memory_space<any>>
      %dma_wait3A_439 = tpu.memref_squeeze %dma_wait3A_438 : memref<1x64xf32, #tpu.memory_space<any>> -> memref<64xf32, #tpu.memory_space<any>>
      tpu.wait_dma2 semaphore(%dma_wait3A_433 : memref<!tpu.dma_semaphore, #tpu.memory_space<semaphore_mem>>) src(%dma_wait3A_439 : memref<64xf32, #tpu.memory_space<any>>) dst(%dma_wait3A_436 : memref<64xf32, #tpu.memory_space<vmem>>)
      %get3A_440 = arith.constant 1 : index
      %get3A_441 = memref.load %arg1[%get3A_440] : memref<32xi32, #tpu.memory_space<smem>>
      %dma_wait3A_442 = arith.constant 1 : i32
      %dma_wait3A_443 = arith.constant 1 : i32
      %dma_wait3A_444 = tpu.memref_slice %arg10[%dma_wait3A_443] : memref<32x!tpu.dma_semaphore, #tpu.memory_space<semaphore_mem>> -> memref<1x!tpu.dma_semaphore, #tpu.memory_space<semaphore_mem>>
      %dma_wait3A_445 = tpu.memref_squeeze %dma_wait3A_444 : memref<1x!tpu.dma_semaphore, #tpu.memory_space<semaphore_mem>> -> memref<!tpu.dma_semaphore, #tpu.memory_space<semaphore_mem>>
      %dma_wait3A_446 = arith.constant 0 : i32
      %dma_wait3A_447 = tpu.memref_slice %arg9[%dma_wait3A_442, %dma_wait3A_446] : memref<32x64xf32, #tpu.memory_space<vmem>> -> memref<1x64xf32, #tpu.memory_space<vmem>>
      %dma_wait3A_448 = tpu.memref_squeeze %dma_wait3A_447 : memref<1x64xf32, #tpu.memory_space<vmem>> -> memref<64xf32, #tpu.memory_space<vmem>>
      %dma_wait3A_449 = arith.constant 0 : i32
      %dma_wait3A_450 = tpu.memref_slice %arg2[%get3A_441, %dma_wait3A_449] : memref<1000000x64xf32, #tpu.memory_space<any>> -> memref<1x64xf32, #tpu.memory_space<any>>
      %dma_wait3A_451 = tpu.memref_squeeze %dma_wait3A_450 : memref<1x64xf32, #tpu.memory_space<any>> -> memref<64xf32, #tpu.memory_space<any>>
      tpu.wait_dma2 semaphore(%dma_wait3A_445 : memref<!tpu.dma_semaphore, #tpu.memory_space<semaphore_mem>>) src(%dma_wait3A_451 : memref<64xf32, #tpu.memory_space<any>>) dst(%dma_wait3A_448 : memref<64xf32, #tpu.memory_space<vmem>>)
      %get3A_452 = arith.constant 2 : index
      %get3A_453 = memref.load %arg1[%get3A_452] : memref<32xi32, #tpu.memory_space<smem>>
      %dma_wait3A_454 = arith.constant 2 : i32
      %dma_wait3A_455 = arith.constant 2 : i32
      %dma_wait3A_456 = tpu.memref_slice %arg10[%dma_wait3A_455] : memref<32x!tpu.dma_semaphore, #tpu.memory_space<semaphore_mem>> -> memref<1x!tpu.dma_semaphore, #tpu.memory_space<semaphore_mem>>
      %dma_wait3A_457 = tpu.memref_squeeze %dma_wait3A_456 : memref<1x!tpu.dma_semaphore, #tpu.memory_space<semaphore_mem>> -> memref<!tpu.dma_semaphore, #tpu.memory_space<semaphore_mem>>
      %dma_wait3A_458 = arith.constant 0 : i32
      %dma_wait3A_459 = tpu.memref_slice %arg9[%dma_wait3A_454, %dma_wait3A_458] : memref<32x64xf32, #tpu.memory_space<vmem>> -> memref<1x64xf32, #tpu.memory_space<vmem>>
      %dma_wait3A_460 = tpu.memref_squeeze %dma_wait3A_459 : memref<1x64xf32, #tpu.memory_space<vmem>> -> memref<64xf32, #tpu.memory_space<vmem>>
      %dma_wait3A_461 = arith.constant 0 : i32
      %dma_wait3A_462 = tpu.memref_slice %arg2[%get3A_453, %dma_wait3A_461] : memref<1000000x64xf32, #tpu.memory_space<any>> -> memref<1x64xf32, #tpu.memory_space<any>>
      %dma_wait3A_463 = tpu.memref_squeeze %dma_wait3A_462 : memref<1x64xf32, #tpu.memory_space<any>> -> memref<64xf32, #tpu.memory_space<any>>
      tpu.wait_dma2 semaphore(%dma_wait3A_457 : memref<!tpu.dma_semaphore, #tpu.memory_space<semaphore_mem>>) src(%dma_wait3A_463 : memref<64xf32, #tpu.memory_space<any>>) dst(%dma_wait3A_460 : memref<64xf32, #tpu.memory_space<vmem>>)
      %get3A_464 = arith.constant 3 : index
      %get3A_465 = memref.load %arg1[%get3A_464] : memref<32xi32, #tpu.memory_space<smem>>
      %dma_wait3A_466 = arith.constant 3 : i32
      %dma_wait3A_467 = arith.constant 3 : i32
      %dma_wait3A_468 = tpu.memref_slice %arg10[%dma_wait3A_467] : memref<32x!tpu.dma_semaphore, #tpu.memory_space<semaphore_mem>> -> memref<1x!tpu.dma_semaphore, #tpu.memory_space<semaphore_mem>>
      %dma_wait3A_469 = tpu.memref_squeeze %dma_wait3A_468 : memref<1x!tpu.dma_semaphore, #tpu.memory_space<semaphore_mem>> -> memref<!tpu.dma_semaphore, #tpu.memory_space<semaphore_mem>>
      %dma_wait3A_470 = arith.constant 0 : i32
      %dma_wait3A_471 = tpu.memref_slice %arg9[%dma_wait3A_466, %dma_wait3A_470] : memref<32x64xf32, #tpu.memory_space<vmem>> -> memref<1x64xf32, #tpu.memory_space<vmem>>
      %dma_wait3A_472 = tpu.memref_squeeze %dma_wait3A_471 : memref<1x64xf32, #tpu.memory_space<vmem>> -> memref<64xf32, #tpu.memory_space<vmem>>
      %dma_wait3A_473 = arith.constant 0 : i32
      %dma_wait3A_474 = tpu.memref_slice %arg2[%get3A_465, %dma_wait3A_473] : memref<1000000x64xf32, #tpu.memory_space<any>> -> memref<1x64xf32, #tpu.memory_space<any>>
      %dma_wait3A_475 = tpu.memref_squeeze %dma_wait3A_474 : memref<1x64xf32, #tpu.memory_space<any>> -> memref<64xf32, #tpu.memory_space<any>>
      tpu.wait_dma2 semaphore(%dma_wait3A_469 : memref<!tpu.dma_semaphore, #tpu.memory_space<semaphore_mem>>) src(%dma_wait3A_475 : memref<64xf32, #tpu.memory_space<any>>) dst(%dma_wait3A_472 : memref<64xf32, #tpu.memory_space<vmem>>)
      %get3A_476 = arith.constant 4 : index
      %get3A_477 = memref.load %arg1[%get3A_476] : memref<32xi32, #tpu.memory_space<smem>>
      %dma_wait3A_478 = arith.constant 4 : i32
      %dma_wait3A_479 = arith.constant 4 : i32
      %dma_wait3A_480 = tpu.memref_slice %arg10[%dma_wait3A_479] : memref<32x!tpu.dma_semaphore, #tpu.memory_space<semaphore_mem>> -> memref<1x!tpu.dma_semaphore, #tpu.memory_space<semaphore_mem>>
      %dma_wait3A_481 = tpu.memref_squeeze %dma_wait3A_480 : memref<1x!tpu.dma_semaphore, #tpu.memory_space<semaphore_mem>> -> memref<!tpu.dma_semaphore, #tpu.memory_space<semaphore_mem>>
      %dma_wait3A_482 = arith.constant 0 : i32
      %dma_wait3A_483 = tpu.memref_slice %arg9[%dma_wait3A_478, %dma_wait3A_482] : memref<32x64xf32, #tpu.memory_space<vmem>> -> memref<1x64xf32, #tpu.memory_space<vmem>>
      %dma_wait3A_484 = tpu.memref_squeeze %dma_wait3A_483 : memref<1x64xf32, #tpu.memory_space<vmem>> -> memref<64xf32, #tpu.memory_space<vmem>>
      %dma_wait3A_485 = arith.constant 0 : i32
      %dma_wait3A_486 = tpu.memref_slice %arg2[%get3A_477, %dma_wait3A_485] : memref<1000000x64xf32, #tpu.memory_space<any>> -> memref<1x64xf32, #tpu.memory_space<any>>
      %dma_wait3A_487 = tpu.memref_squeeze %dma_wait3A_486 : memref<1x64xf32, #tpu.memory_space<any>> -> memref<64xf32, #tpu.memory_space<any>>
      tpu.wait_dma2 semaphore(%dma_wait3A_481 : memref<!tpu.dma_semaphore, #tpu.memory_space<semaphore_mem>>) src(%dma_wait3A_487 : memref<64xf32, #tpu.memory_space<any>>) dst(%dma_wait3A_484 : memref<64xf32, #tpu.memory_space<vmem>>)
      %get3A_488 = arith.constant 5 : index
      %get3A_489 = memref.load %arg1[%get3A_488] : memref<32xi32, #tpu.memory_space<smem>>
      %dma_wait3A_490 = arith.constant 5 : i32
      %dma_wait3A_491 = arith.constant 5 : i32
      %dma_wait3A_492 = tpu.memref_slice %arg10[%dma_wait3A_491] : memref<32x!tpu.dma_semaphore, #tpu.memory_space<semaphore_mem>> -> memref<1x!tpu.dma_semaphore, #tpu.memory_space<semaphore_mem>>
      %dma_wait3A_493 = tpu.memref_squeeze %dma_wait3A_492 : memref<1x!tpu.dma_semaphore, #tpu.memory_space<semaphore_mem>> -> memref<!tpu.dma_semaphore, #tpu.memory_space<semaphore_mem>>
      %dma_wait3A_494 = arith.constant 0 : i32
      %dma_wait3A_495 = tpu.memref_slice %arg9[%dma_wait3A_490, %dma_wait3A_494] : memref<32x64xf32, #tpu.memory_space<vmem>> -> memref<1x64xf32, #tpu.memory_space<vmem>>
      %dma_wait3A_496 = tpu.memref_squeeze %dma_wait3A_495 : memref<1x64xf32, #tpu.memory_space<vmem>> -> memref<64xf32, #tpu.memory_space<vmem>>
      %dma_wait3A_497 = arith.constant 0 : i32
      %dma_wait3A_498 = tpu.memref_slice %arg2[%get3A_489, %dma_wait3A_497] : memref<1000000x64xf32, #tpu.memory_space<any>> -> memref<1x64xf32, #tpu.memory_space<any>>
      %dma_wait3A_499 = tpu.memref_squeeze %dma_wait3A_498 : memref<1x64xf32, #tpu.memory_space<any>> -> memref<64xf32, #tpu.memory_space<any>>
      tpu.wait_dma2 semaphore(%dma_wait3A_493 : memref<!tpu.dma_semaphore, #tpu.memory_space<semaphore_mem>>) src(%dma_wait3A_499 : memref<64xf32, #tpu.memory_space<any>>) dst(%dma_wait3A_496 : memref<64xf32, #tpu.memory_space<vmem>>)
      %get3A_500 = arith.constant 6 : index
      %get3A_501 = memref.load %arg1[%get3A_500] : memref<32xi32, #tpu.memory_space<smem>>
      %dma_wait3A_502 = arith.constant 6 : i32
      %dma_wait3A_503 = arith.constant 6 : i32
      %dma_wait3A_504 = tpu.memref_slice %arg10[%dma_wait3A_503] : memref<32x!tpu.dma_semaphore, #tpu.memory_space<semaphore_mem>> -> memref<1x!tpu.dma_semaphore, #tpu.memory_space<semaphore_mem>>
      %dma_wait3A_505 = tpu.memref_squeeze %dma_wait3A_504 : memref<1x!tpu.dma_semaphore, #tpu.memory_space<semaphore_mem>> -> memref<!tpu.dma_semaphore, #tpu.memory_space<semaphore_mem>>
      %dma_wait3A_506 = arith.constant 0 : i32
      %dma_wait3A_507 = tpu.memref_slice %arg9[%dma_wait3A_502, %dma_wait3A_506] : memref<32x64xf32, #tpu.memory_space<vmem>> -> memref<1x64xf32, #tpu.memory_space<vmem>>
      %dma_wait3A_508 = tpu.memref_squeeze %dma_wait3A_507 : memref<1x64xf32, #tpu.memory_space<vmem>> -> memref<64xf32, #tpu.memory_space<vmem>>
      %dma_wait3A_509 = arith.constant 0 : i32
      %dma_wait3A_510 = tpu.memref_slice %arg2[%get3A_501, %dma_wait3A_509] : memref<1000000x64xf32, #tpu.memory_space<any>> -> memref<1x64xf32, #tpu.memory_space<any>>
      %dma_wait3A_511 = tpu.memref_squeeze %dma_wait3A_510 : memref<1x64xf32, #tpu.memory_space<any>> -> memref<64xf32, #tpu.memory_space<any>>
      tpu.wait_dma2 semaphore(%dma_wait3A_505 : memref<!tpu.dma_semaphore, #tpu.memory_space<semaphore_mem>>) src(%dma_wait3A_511 : memref<64xf32, #tpu.memory_space<any>>) dst(%dma_wait3A_508 : memref<64xf32, #tpu.memory_space<vmem>>)
      %get3A_512 = arith.constant 7 : index
      %get3A_513 = memref.load %arg1[%get3A_512] : memref<32xi32, #tpu.memory_space<smem>>
      %dma_wait3A_514 = arith.constant 7 : i32
      %dma_wait3A_515 = arith.constant 7 : i32
      %dma_wait3A_516 = tpu.memref_slice %arg10[%dma_wait3A_515] : memref<32x!tpu.dma_semaphore, #tpu.memory_space<semaphore_mem>> -> memref<1x!tpu.dma_semaphore, #tpu.memory_space<semaphore_mem>>
      %dma_wait3A_517 = tpu.memref_squeeze %dma_wait3A_516 : memref<1x!tpu.dma_semaphore, #tpu.memory_space<semaphore_mem>> -> memref<!tpu.dma_semaphore, #tpu.memory_space<semaphore_mem>>
      %dma_wait3A_518 = arith.constant 0 : i32
      %dma_wait3A_519 = tpu.memref_slice %arg9[%dma_wait3A_514, %dma_wait3A_518] : memref<32x64xf32, #tpu.memory_space<vmem>> -> memref<1x64xf32, #tpu.memory_space<vmem>>
      %dma_wait3A_520 = tpu.memref_squeeze %dma_wait3A_519 : memref<1x64xf32, #tpu.memory_space<vmem>> -> memref<64xf32, #tpu.memory_space<vmem>>
      %dma_wait3A_521 = arith.constant 0 : i32
      %dma_wait3A_522 = tpu.memref_slice %arg2[%get3A_513, %dma_wait3A_521] : memref<1000000x64xf32, #tpu.memory_space<any>> -> memref<1x64xf32, #tpu.memory_space<any>>
      %dma_wait3A_523 = tpu.memref_squeeze %dma_wait3A_522 : memref<1x64xf32, #tpu.memory_space<any>> -> memref<64xf32, #tpu.memory_space<any>>
      tpu.wait_dma2 semaphore(%dma_wait3A_517 : memref<!tpu.dma_semaphore, #tpu.memory_space<semaphore_mem>>) src(%dma_wait3A_523 : memref<64xf32, #tpu.memory_space<any>>) dst(%dma_wait3A_520 : memref<64xf32, #tpu.memory_space<vmem>>)
      %get3A_524 = arith.constant 8 : index
      %get3A_525 = memref.load %arg1[%get3A_524] : memref<32xi32, #tpu.memory_space<smem>>
      %dma_wait3A_526 = arith.constant 8 : i32
      %dma_wait3A_527 = arith.constant 8 : i32
      %dma_wait3A_528 = tpu.memref_slice %arg10[%dma_wait3A_527] : memref<32x!tpu.dma_semaphore, #tpu.memory_space<semaphore_mem>> -> memref<1x!tpu.dma_semaphore, #tpu.memory_space<semaphore_mem>>
      %dma_wait3A_529 = tpu.memref_squeeze %dma_wait3A_528 : memref<1x!tpu.dma_semaphore, #tpu.memory_space<semaphore_mem>> -> memref<!tpu.dma_semaphore, #tpu.memory_space<semaphore_mem>>
      %dma_wait3A_530 = arith.constant 0 : i32
      %dma_wait3A_531 = tpu.memref_slice %arg9[%dma_wait3A_526, %dma_wait3A_530] : memref<32x64xf32, #tpu.memory_space<vmem>> -> memref<1x64xf32, #tpu.memory_space<vmem>>
      %dma_wait3A_532 = tpu.memref_squeeze %dma_wait3A_531 : memref<1x64xf32, #tpu.memory_space<vmem>> -> memref<64xf32, #tpu.memory_space<vmem>>
      %dma_wait3A_533 = arith.constant 0 : i32
      %dma_wait3A_534 = tpu.memref_slice %arg2[%get3A_525, %dma_wait3A_533] : memref<1000000x64xf32, #tpu.memory_space<any>> -> memref<1x64xf32, #tpu.memory_space<any>>
      %dma_wait3A_535 = tpu.memref_squeeze %dma_wait3A_534 : memref<1x64xf32, #tpu.memory_space<any>> -> memref<64xf32, #tpu.memory_space<any>>
      tpu.wait_dma2 semaphore(%dma_wait3A_529 : memref<!tpu.dma_semaphore, #tpu.memory_space<semaphore_mem>>) src(%dma_wait3A_535 : memref<64xf32, #tpu.memory_space<any>>) dst(%dma_wait3A_532 : memref<64xf32, #tpu.memory_space<vmem>>)
      %get3A_536 = arith.constant 9 : index
      %get3A_537 = memref.load %arg1[%get3A_536] : memref<32xi32, #tpu.memory_space<smem>>
      %dma_wait3A_538 = arith.constant 9 : i32
      %dma_wait3A_539 = arith.constant 9 : i32
      %dma_wait3A_540 = tpu.memref_slice %arg10[%dma_wait3A_539] : memref<32x!tpu.dma_semaphore, #tpu.memory_space<semaphore_mem>> -> memref<1x!tpu.dma_semaphore, #tpu.memory_space<semaphore_mem>>
      %dma_wait3A_541 = tpu.memref_squeeze %dma_wait3A_540 : memref<1x!tpu.dma_semaphore, #tpu.memory_space<semaphore_mem>> -> memref<!tpu.dma_semaphore, #tpu.memory_space<semaphore_mem>>
      %dma_wait3A_542 = arith.constant 0 : i32
      %dma_wait3A_543 = tpu.memref_slice %arg9[%dma_wait3A_538, %dma_wait3A_542] : memref<32x64xf32, #tpu.memory_space<vmem>> -> memref<1x64xf32, #tpu.memory_space<vmem>>
      %dma_wait3A_544 = tpu.memref_squeeze %dma_wait3A_543 : memref<1x64xf32, #tpu.memory_space<vmem>> -> memref<64xf32, #tpu.memory_space<vmem>>
      %dma_wait3A_545 = arith.constant 0 : i32
      %dma_wait3A_546 = tpu.memref_slice %arg2[%get3A_537, %dma_wait3A_545] : memref<1000000x64xf32, #tpu.memory_space<any>> -> memref<1x64xf32, #tpu.memory_space<any>>
      %dma_wait3A_547 = tpu.memref_squeeze %dma_wait3A_546 : memref<1x64xf32, #tpu.memory_space<any>> -> memref<64xf32, #tpu.memory_space<any>>
      tpu.wait_dma2 semaphore(%dma_wait3A_541 : memref<!tpu.dma_semaphore, #tpu.memory_space<semaphore_mem>>) src(%dma_wait3A_547 : memref<64xf32, #tpu.memory_space<any>>) dst(%dma_wait3A_544 : memref<64xf32, #tpu.memory_space<vmem>>)
      %get3A_548 = arith.constant 10 : index
      %get3A_549 = memref.load %arg1[%get3A_548] : memref<32xi32, #tpu.memory_space<smem>>
      %dma_wait3A_550 = arith.constant 10 : i32
      %dma_wait3A_551 = arith.constant 10 : i32
      %dma_wait3A_552 = tpu.memref_slice %arg10[%dma_wait3A_551] : memref<32x!tpu.dma_semaphore, #tpu.memory_space<semaphore_mem>> -> memref<1x!tpu.dma_semaphore, #tpu.memory_space<semaphore_mem>>
      %dma_wait3A_553 = tpu.memref_squeeze %dma_wait3A_552 : memref<1x!tpu.dma_semaphore, #tpu.memory_space<semaphore_mem>> -> memref<!tpu.dma_semaphore, #tpu.memory_space<semaphore_mem>>
      %dma_wait3A_554 = arith.constant 0 : i32
      %dma_wait3A_555 = tpu.memref_slice %arg9[%dma_wait3A_550, %dma_wait3A_554] : memref<32x64xf32, #tpu.memory_space<vmem>> -> memref<1x64xf32, #tpu.memory_space<vmem>>
      %dma_wait3A_556 = tpu.memref_squeeze %dma_wait3A_555 : memref<1x64xf32, #tpu.memory_space<vmem>> -> memref<64xf32, #tpu.memory_space<vmem>>
      %dma_wait3A_557 = arith.constant 0 : i32
      %dma_wait3A_558 = tpu.memref_slice %arg2[%get3A_549, %dma_wait3A_557] : memref<1000000x64xf32, #tpu.memory_space<any>> -> memref<1x64xf32, #tpu.memory_space<any>>
      %dma_wait3A_559 = tpu.memref_squeeze %dma_wait3A_558 : memref<1x64xf32, #tpu.memory_space<any>> -> memref<64xf32, #tpu.memory_space<any>>
      tpu.wait_dma2 semaphore(%dma_wait3A_553 : memref<!tpu.dma_semaphore, #tpu.memory_space<semaphore_mem>>) src(%dma_wait3A_559 : memref<64xf32, #tpu.memory_space<any>>) dst(%dma_wait3A_556 : memref<64xf32, #tpu.memory_space<vmem>>)
      %get3A_560 = arith.constant 11 : index
      %get3A_561 = memref.load %arg1[%get3A_560] : memref<32xi32, #tpu.memory_space<smem>>
      %dma_wait3A_562 = arith.constant 11 : i32
      %dma_wait3A_563 = arith.constant 11 : i32
      %dma_wait3A_564 = tpu.memref_slice %arg10[%dma_wait3A_563] : memref<32x!tpu.dma_semaphore, #tpu.memory_space<semaphore_mem>> -> memref<1x!tpu.dma_semaphore, #tpu.memory_space<semaphore_mem>>
      %dma_wait3A_565 = tpu.memref_squeeze %dma_wait3A_564 : memref<1x!tpu.dma_semaphore, #tpu.memory_space<semaphore_mem>> -> memref<!tpu.dma_semaphore, #tpu.memory_space<semaphore_mem>>
      %dma_wait3A_566 = arith.constant 0 : i32
      %dma_wait3A_567 = tpu.memref_slice %arg9[%dma_wait3A_562, %dma_wait3A_566] : memref<32x64xf32, #tpu.memory_space<vmem>> -> memref<1x64xf32, #tpu.memory_space<vmem>>
      %dma_wait3A_568 = tpu.memref_squeeze %dma_wait3A_567 : memref<1x64xf32, #tpu.memory_space<vmem>> -> memref<64xf32, #tpu.memory_space<vmem>>
      %dma_wait3A_569 = arith.constant 0 : i32
      %dma_wait3A_570 = tpu.memref_slice %arg2[%get3A_561, %dma_wait3A_569] : memref<1000000x64xf32, #tpu.memory_space<any>> -> memref<1x64xf32, #tpu.memory_space<any>>
      %dma_wait3A_571 = tpu.memref_squeeze %dma_wait3A_570 : memref<1x64xf32, #tpu.memory_space<any>> -> memref<64xf32, #tpu.memory_space<any>>
      tpu.wait_dma2 semaphore(%dma_wait3A_565 : memref<!tpu.dma_semaphore, #tpu.memory_space<semaphore_mem>>) src(%dma_wait3A_571 : memref<64xf32, #tpu.memory_space<any>>) dst(%dma_wait3A_568 : memref<64xf32, #tpu.memory_space<vmem>>)
      %get3A_572 = arith.constant 12 : index
      %get3A_573 = memref.load %arg1[%get3A_572] : memref<32xi32, #tpu.memory_space<smem>>
      %dma_wait3A_574 = arith.constant 12 : i32
      %dma_wait3A_575 = arith.constant 12 : i32
      %dma_wait3A_576 = tpu.memref_slice %arg10[%dma_wait3A_575] : memref<32x!tpu.dma_semaphore, #tpu.memory_space<semaphore_mem>> -> memref<1x!tpu.dma_semaphore, #tpu.memory_space<semaphore_mem>>
      %dma_wait3A_577 = tpu.memref_squeeze %dma_wait3A_576 : memref<1x!tpu.dma_semaphore, #tpu.memory_space<semaphore_mem>> -> memref<!tpu.dma_semaphore, #tpu.memory_space<semaphore_mem>>
      %dma_wait3A_578 = arith.constant 0 : i32
      %dma_wait3A_579 = tpu.memref_slice %arg9[%dma_wait3A_574, %dma_wait3A_578] : memref<32x64xf32, #tpu.memory_space<vmem>> -> memref<1x64xf32, #tpu.memory_space<vmem>>
      %dma_wait3A_580 = tpu.memref_squeeze %dma_wait3A_579 : memref<1x64xf32, #tpu.memory_space<vmem>> -> memref<64xf32, #tpu.memory_space<vmem>>
      %dma_wait3A_581 = arith.constant 0 : i32
      %dma_wait3A_582 = tpu.memref_slice %arg2[%get3A_573, %dma_wait3A_581] : memref<1000000x64xf32, #tpu.memory_space<any>> -> memref<1x64xf32, #tpu.memory_space<any>>
      %dma_wait3A_583 = tpu.memref_squeeze %dma_wait3A_582 : memref<1x64xf32, #tpu.memory_space<any>> -> memref<64xf32, #tpu.memory_space<any>>
      tpu.wait_dma2 semaphore(%dma_wait3A_577 : memref<!tpu.dma_semaphore, #tpu.memory_space<semaphore_mem>>) src(%dma_wait3A_583 : memref<64xf32, #tpu.memory_space<any>>) dst(%dma_wait3A_580 : memref<64xf32, #tpu.memory_space<vmem>>)
      %get3A_584 = arith.constant 13 : index
      %get3A_585 = memref.load %arg1[%get3A_584] : memref<32xi32, #tpu.memory_space<smem>>
      %dma_wait3A_586 = arith.constant 13 : i32
      %dma_wait3A_587 = arith.constant 13 : i32
      %dma_wait3A_588 = tpu.memref_slice %arg10[%dma_wait3A_587] : memref<32x!tpu.dma_semaphore, #tpu.memory_space<semaphore_mem>> -> memref<1x!tpu.dma_semaphore, #tpu.memory_space<semaphore_mem>>
      %dma_wait3A_589 = tpu.memref_squeeze %dma_wait3A_588 : memref<1x!tpu.dma_semaphore, #tpu.memory_space<semaphore_mem>> -> memref<!tpu.dma_semaphore, #tpu.memory_space<semaphore_mem>>
      %dma_wait3A_590 = arith.constant 0 : i32
      %dma_wait3A_591 = tpu.memref_slice %arg9[%dma_wait3A_586, %dma_wait3A_590] : memref<32x64xf32, #tpu.memory_space<vmem>> -> memref<1x64xf32, #tpu.memory_space<vmem>>
      %dma_wait3A_592 = tpu.memref_squeeze %dma_wait3A_591 : memref<1x64xf32, #tpu.memory_space<vmem>> -> memref<64xf32, #tpu.memory_space<vmem>>
      %dma_wait3A_593 = arith.constant 0 : i32
      %dma_wait3A_594 = tpu.memref_slice %arg2[%get3A_585, %dma_wait3A_593] : memref<1000000x64xf32, #tpu.memory_space<any>> -> memref<1x64xf32, #tpu.memory_space<any>>
      %dma_wait3A_595 = tpu.memref_squeeze %dma_wait3A_594 : memref<1x64xf32, #tpu.memory_space<any>> -> memref<64xf32, #tpu.memory_space<any>>
      tpu.wait_dma2 semaphore(%dma_wait3A_589 : memref<!tpu.dma_semaphore, #tpu.memory_space<semaphore_mem>>) src(%dma_wait3A_595 : memref<64xf32, #tpu.memory_space<any>>) dst(%dma_wait3A_592 : memref<64xf32, #tpu.memory_space<vmem>>)
      %get3A_596 = arith.constant 14 : index
      %get3A_597 = memref.load %arg1[%get3A_596] : memref<32xi32, #tpu.memory_space<smem>>
      %dma_wait3A_598 = arith.constant 14 : i32
      %dma_wait3A_599 = arith.constant 14 : i32
      %dma_wait3A_600 = tpu.memref_slice %arg10[%dma_wait3A_599] : memref<32x!tpu.dma_semaphore, #tpu.memory_space<semaphore_mem>> -> memref<1x!tpu.dma_semaphore, #tpu.memory_space<semaphore_mem>>
      %dma_wait3A_601 = tpu.memref_squeeze %dma_wait3A_600 : memref<1x!tpu.dma_semaphore, #tpu.memory_space<semaphore_mem>> -> memref<!tpu.dma_semaphore, #tpu.memory_space<semaphore_mem>>
      %dma_wait3A_602 = arith.constant 0 : i32
      %dma_wait3A_603 = tpu.memref_slice %arg9[%dma_wait3A_598, %dma_wait3A_602] : memref<32x64xf32, #tpu.memory_space<vmem>> -> memref<1x64xf32, #tpu.memory_space<vmem>>
      %dma_wait3A_604 = tpu.memref_squeeze %dma_wait3A_603 : memref<1x64xf32, #tpu.memory_space<vmem>> -> memref<64xf32, #tpu.memory_space<vmem>>
      %dma_wait3A_605 = arith.constant 0 : i32
      %dma_wait3A_606 = tpu.memref_slice %arg2[%get3A_597, %dma_wait3A_605] : memref<1000000x64xf32, #tpu.memory_space<any>> -> memref<1x64xf32, #tpu.memory_space<any>>
      %dma_wait3A_607 = tpu.memref_squeeze %dma_wait3A_606 : memref<1x64xf32, #tpu.memory_space<any>> -> memref<64xf32, #tpu.memory_space<any>>
      tpu.wait_dma2 semaphore(%dma_wait3A_601 : memref<!tpu.dma_semaphore, #tpu.memory_space<semaphore_mem>>) src(%dma_wait3A_607 : memref<64xf32, #tpu.memory_space<any>>) dst(%dma_wait3A_604 : memref<64xf32, #tpu.memory_space<vmem>>)
      %get3A_608 = arith.constant 15 : index
      %get3A_609 = memref.load %arg1[%get3A_608] : memref<32xi32, #tpu.memory_space<smem>>
      %dma_wait3A_610 = arith.constant 15 : i32
      %dma_wait3A_611 = arith.constant 15 : i32
      %dma_wait3A_612 = tpu.memref_slice %arg10[%dma_wait3A_611] : memref<32x!tpu.dma_semaphore, #tpu.memory_space<semaphore_mem>> -> memref<1x!tpu.dma_semaphore, #tpu.memory_space<semaphore_mem>>
      %dma_wait3A_613 = tpu.memref_squeeze %dma_wait3A_612 : memref<1x!tpu.dma_semaphore, #tpu.memory_space<semaphore_mem>> -> memref<!tpu.dma_semaphore, #tpu.memory_space<semaphore_mem>>
      %dma_wait3A_614 = arith.constant 0 : i32
      %dma_wait3A_615 = tpu.memref_slice %arg9[%dma_wait3A_610, %dma_wait3A_614] : memref<32x64xf32, #tpu.memory_space<vmem>> -> memref<1x64xf32, #tpu.memory_space<vmem>>
      %dma_wait3A_616 = tpu.memref_squeeze %dma_wait3A_615 : memref<1x64xf32, #tpu.memory_space<vmem>> -> memref<64xf32, #tpu.memory_space<vmem>>
      %dma_wait3A_617 = arith.constant 0 : i32
      %dma_wait3A_618 = tpu.memref_slice %arg2[%get3A_609, %dma_wait3A_617] : memref<1000000x64xf32, #tpu.memory_space<any>> -> memref<1x64xf32, #tpu.memory_space<any>>
      %dma_wait3A_619 = tpu.memref_squeeze %dma_wait3A_618 : memref<1x64xf32, #tpu.memory_space<any>> -> memref<64xf32, #tpu.memory_space<any>>
      tpu.wait_dma2 semaphore(%dma_wait3A_613 : memref<!tpu.dma_semaphore, #tpu.memory_space<semaphore_mem>>) src(%dma_wait3A_619 : memref<64xf32, #tpu.memory_space<any>>) dst(%dma_wait3A_616 : memref<64xf32, #tpu.memory_space<vmem>>)
      %get3A_620 = arith.constant 16 : index
      %get3A_621 = memref.load %arg1[%get3A_620] : memref<32xi32, #tpu.memory_space<smem>>
      %dma_wait3A_622 = arith.constant 16 : i32
      %dma_wait3A_623 = arith.constant 16 : i32
      %dma_wait3A_624 = tpu.memref_slice %arg10[%dma_wait3A_623] : memref<32x!tpu.dma_semaphore, #tpu.memory_space<semaphore_mem>> -> memref<1x!tpu.dma_semaphore, #tpu.memory_space<semaphore_mem>>
      %dma_wait3A_625 = tpu.memref_squeeze %dma_wait3A_624 : memref<1x!tpu.dma_semaphore, #tpu.memory_space<semaphore_mem>> -> memref<!tpu.dma_semaphore, #tpu.memory_space<semaphore_mem>>
      %dma_wait3A_626 = arith.constant 0 : i32
      %dma_wait3A_627 = tpu.memref_slice %arg9[%dma_wait3A_622, %dma_wait3A_626] : memref<32x64xf32, #tpu.memory_space<vmem>> -> memref<1x64xf32, #tpu.memory_space<vmem>>
      %dma_wait3A_628 = tpu.memref_squeeze %dma_wait3A_627 : memref<1x64xf32, #tpu.memory_space<vmem>> -> memref<64xf32, #tpu.memory_space<vmem>>
      %dma_wait3A_629 = arith.constant 0 : i32
      %dma_wait3A_630 = tpu.memref_slice %arg2[%get3A_621, %dma_wait3A_629] : memref<1000000x64xf32, #tpu.memory_space<any>> -> memref<1x64xf32, #tpu.memory_space<any>>
      %dma_wait3A_631 = tpu.memref_squeeze %dma_wait3A_630 : memref<1x64xf32, #tpu.memory_space<any>> -> memref<64xf32, #tpu.memory_space<any>>
      tpu.wait_dma2 semaphore(%dma_wait3A_625 : memref<!tpu.dma_semaphore, #tpu.memory_space<semaphore_mem>>) src(%dma_wait3A_631 : memref<64xf32, #tpu.memory_space<any>>) dst(%dma_wait3A_628 : memref<64xf32, #tpu.memory_space<vmem>>)
      %get3A_632 = arith.constant 17 : index
      %get3A_633 = memref.load %arg1[%get3A_632] : memref<32xi32, #tpu.memory_space<smem>>
      %dma_wait3A_634 = arith.constant 17 : i32
      %dma_wait3A_635 = arith.constant 17 : i32
      %dma_wait3A_636 = tpu.memref_slice %arg10[%dma_wait3A_635] : memref<32x!tpu.dma_semaphore, #tpu.memory_space<semaphore_mem>> -> memref<1x!tpu.dma_semaphore, #tpu.memory_space<semaphore_mem>>
      %dma_wait3A_637 = tpu.memref_squeeze %dma_wait3A_636 : memref<1x!tpu.dma_semaphore, #tpu.memory_space<semaphore_mem>> -> memref<!tpu.dma_semaphore, #tpu.memory_space<semaphore_mem>>
      %dma_wait3A_638 = arith.constant 0 : i32
      %dma_wait3A_639 = tpu.memref_slice %arg9[%dma_wait3A_634, %dma_wait3A_638] : memref<32x64xf32, #tpu.memory_space<vmem>> -> memref<1x64xf32, #tpu.memory_space<vmem>>
      %dma_wait3A_640 = tpu.memref_squeeze %dma_wait3A_639 : memref<1x64xf32, #tpu.memory_space<vmem>> -> memref<64xf32, #tpu.memory_space<vmem>>
      %dma_wait3A_641 = arith.constant 0 : i32
      %dma_wait3A_642 = tpu.memref_slice %arg2[%get3A_633, %dma_wait3A_641] : memref<1000000x64xf32, #tpu.memory_space<any>> -> memref<1x64xf32, #tpu.memory_space<any>>
      %dma_wait3A_643 = tpu.memref_squeeze %dma_wait3A_642 : memref<1x64xf32, #tpu.memory_space<any>> -> memref<64xf32, #tpu.memory_space<any>>
      tpu.wait_dma2 semaphore(%dma_wait3A_637 : memref<!tpu.dma_semaphore, #tpu.memory_space<semaphore_mem>>) src(%dma_wait3A_643 : memref<64xf32, #tpu.memory_space<any>>) dst(%dma_wait3A_640 : memref<64xf32, #tpu.memory_space<vmem>>)
      %get3A_644 = arith.constant 18 : index
      %get3A_645 = memref.load %arg1[%get3A_644] : memref<32xi32, #tpu.memory_space<smem>>
      %dma_wait3A_646 = arith.constant 18 : i32
      %dma_wait3A_647 = arith.constant 18 : i32
      %dma_wait3A_648 = tpu.memref_slice %arg10[%dma_wait3A_647] : memref<32x!tpu.dma_semaphore, #tpu.memory_space<semaphore_mem>> -> memref<1x!tpu.dma_semaphore, #tpu.memory_space<semaphore_mem>>
      %dma_wait3A_649 = tpu.memref_squeeze %dma_wait3A_648 : memref<1x!tpu.dma_semaphore, #tpu.memory_space<semaphore_mem>> -> memref<!tpu.dma_semaphore, #tpu.memory_space<semaphore_mem>>
      %dma_wait3A_650 = arith.constant 0 : i32
      %dma_wait3A_651 = tpu.memref_slice %arg9[%dma_wait3A_646, %dma_wait3A_650] : memref<32x64xf32, #tpu.memory_space<vmem>> -> memref<1x64xf32, #tpu.memory_space<vmem>>
      %dma_wait3A_652 = tpu.memref_squeeze %dma_wait3A_651 : memref<1x64xf32, #tpu.memory_space<vmem>> -> memref<64xf32, #tpu.memory_space<vmem>>
      %dma_wait3A_653 = arith.constant 0 : i32
      %dma_wait3A_654 = tpu.memref_slice %arg2[%get3A_645, %dma_wait3A_653] : memref<1000000x64xf32, #tpu.memory_space<any>> -> memref<1x64xf32, #tpu.memory_space<any>>
      %dma_wait3A_655 = tpu.memref_squeeze %dma_wait3A_654 : memref<1x64xf32, #tpu.memory_space<any>> -> memref<64xf32, #tpu.memory_space<any>>
      tpu.wait_dma2 semaphore(%dma_wait3A_649 : memref<!tpu.dma_semaphore, #tpu.memory_space<semaphore_mem>>) src(%dma_wait3A_655 : memref<64xf32, #tpu.memory_space<any>>) dst(%dma_wait3A_652 : memref<64xf32, #tpu.memory_space<vmem>>)
      %get3A_656 = arith.constant 19 : index
      %get3A_657 = memref.load %arg1[%get3A_656] : memref<32xi32, #tpu.memory_space<smem>>
      %dma_wait3A_658 = arith.constant 19 : i32
      %dma_wait3A_659 = arith.constant 19 : i32
      %dma_wait3A_660 = tpu.memref_slice %arg10[%dma_wait3A_659] : memref<32x!tpu.dma_semaphore, #tpu.memory_space<semaphore_mem>> -> memref<1x!tpu.dma_semaphore, #tpu.memory_space<semaphore_mem>>
      %dma_wait3A_661 = tpu.memref_squeeze %dma_wait3A_660 : memref<1x!tpu.dma_semaphore, #tpu.memory_space<semaphore_mem>> -> memref<!tpu.dma_semaphore, #tpu.memory_space<semaphore_mem>>
      %dma_wait3A_662 = arith.constant 0 : i32
      %dma_wait3A_663 = tpu.memref_slice %arg9[%dma_wait3A_658, %dma_wait3A_662] : memref<32x64xf32, #tpu.memory_space<vmem>> -> memref<1x64xf32, #tpu.memory_space<vmem>>
      %dma_wait3A_664 = tpu.memref_squeeze %dma_wait3A_663 : memref<1x64xf32, #tpu.memory_space<vmem>> -> memref<64xf32, #tpu.memory_space<vmem>>
      %dma_wait3A_665 = arith.constant 0 : i32
      %dma_wait3A_666 = tpu.memref_slice %arg2[%get3A_657, %dma_wait3A_665] : memref<1000000x64xf32, #tpu.memory_space<any>> -> memref<1x64xf32, #tpu.memory_space<any>>
      %dma_wait3A_667 = tpu.memref_squeeze %dma_wait3A_666 : memref<1x64xf32, #tpu.memory_space<any>> -> memref<64xf32, #tpu.memory_space<any>>
      tpu.wait_dma2 semaphore(%dma_wait3A_661 : memref<!tpu.dma_semaphore, #tpu.memory_space<semaphore_mem>>) src(%dma_wait3A_667 : memref<64xf32, #tpu.memory_space<any>>) dst(%dma_wait3A_664 : memref<64xf32, #tpu.memory_space<vmem>>)
      %get3A_668 = arith.constant 20 : index
      %get3A_669 = memref.load %arg1[%get3A_668] : memref<32xi32, #tpu.memory_space<smem>>
      %dma_wait3A_670 = arith.constant 20 : i32
      %dma_wait3A_671 = arith.constant 20 : i32
      %dma_wait3A_672 = tpu.memref_slice %arg10[%dma_wait3A_671] : memref<32x!tpu.dma_semaphore, #tpu.memory_space<semaphore_mem>> -> memref<1x!tpu.dma_semaphore, #tpu.memory_space<semaphore_mem>>
      %dma_wait3A_673 = tpu.memref_squeeze %dma_wait3A_672 : memref<1x!tpu.dma_semaphore, #tpu.memory_space<semaphore_mem>> -> memref<!tpu.dma_semaphore, #tpu.memory_space<semaphore_mem>>
      %dma_wait3A_674 = arith.constant 0 : i32
      %dma_wait3A_675 = tpu.memref_slice %arg9[%dma_wait3A_670, %dma_wait3A_674] : memref<32x64xf32, #tpu.memory_space<vmem>> -> memref<1x64xf32, #tpu.memory_space<vmem>>
      %dma_wait3A_676 = tpu.memref_squeeze %dma_wait3A_675 : memref<1x64xf32, #tpu.memory_space<vmem>> -> memref<64xf32, #tpu.memory_space<vmem>>
      %dma_wait3A_677 = arith.constant 0 : i32
      %dma_wait3A_678 = tpu.memref_slice %arg2[%get3A_669, %dma_wait3A_677] : memref<1000000x64xf32, #tpu.memory_space<any>> -> memref<1x64xf32, #tpu.memory_space<any>>
      %dma_wait3A_679 = tpu.memref_squeeze %dma_wait3A_678 : memref<1x64xf32, #tpu.memory_space<any>> -> memref<64xf32, #tpu.memory_space<any>>
      tpu.wait_dma2 semaphore(%dma_wait3A_673 : memref<!tpu.dma_semaphore, #tpu.memory_space<semaphore_mem>>) src(%dma_wait3A_679 : memref<64xf32, #tpu.memory_space<any>>) dst(%dma_wait3A_676 : memref<64xf32, #tpu.memory_space<vmem>>)
      %get3A_680 = arith.constant 21 : index
      %get3A_681 = memref.load %arg1[%get3A_680] : memref<32xi32, #tpu.memory_space<smem>>
      %dma_wait3A_682 = arith.constant 21 : i32
      %dma_wait3A_683 = arith.constant 21 : i32
      %dma_wait3A_684 = tpu.memref_slice %arg10[%dma_wait3A_683] : memref<32x!tpu.dma_semaphore, #tpu.memory_space<semaphore_mem>> -> memref<1x!tpu.dma_semaphore, #tpu.memory_space<semaphore_mem>>
      %dma_wait3A_685 = tpu.memref_squeeze %dma_wait3A_684 : memref<1x!tpu.dma_semaphore, #tpu.memory_space<semaphore_mem>> -> memref<!tpu.dma_semaphore, #tpu.memory_space<semaphore_mem>>
      %dma_wait3A_686 = arith.constant 0 : i32
      %dma_wait3A_687 = tpu.memref_slice %arg9[%dma_wait3A_682, %dma_wait3A_686] : memref<32x64xf32, #tpu.memory_space<vmem>> -> memref<1x64xf32, #tpu.memory_space<vmem>>
      %dma_wait3A_688 = tpu.memref_squeeze %dma_wait3A_687 : memref<1x64xf32, #tpu.memory_space<vmem>> -> memref<64xf32, #tpu.memory_space<vmem>>
      %dma_wait3A_689 = arith.constant 0 : i32
      %dma_wait3A_690 = tpu.memref_slice %arg2[%get3A_681, %dma_wait3A_689] : memref<1000000x64xf32, #tpu.memory_space<any>> -> memref<1x64xf32, #tpu.memory_space<any>>
      %dma_wait3A_691 = tpu.memref_squeeze %dma_wait3A_690 : memref<1x64xf32, #tpu.memory_space<any>> -> memref<64xf32, #tpu.memory_space<any>>
      tpu.wait_dma2 semaphore(%dma_wait3A_685 : memref<!tpu.dma_semaphore, #tpu.memory_space<semaphore_mem>>) src(%dma_wait3A_691 : memref<64xf32, #tpu.memory_space<any>>) dst(%dma_wait3A_688 : memref<64xf32, #tpu.memory_space<vmem>>)
      %get3A_692 = arith.constant 22 : index
      %get3A_693 = memref.load %arg1[%get3A_692] : memref<32xi32, #tpu.memory_space<smem>>
      %dma_wait3A_694 = arith.constant 22 : i32
      %dma_wait3A_695 = arith.constant 22 : i32
      %dma_wait3A_696 = tpu.memref_slice %arg10[%dma_wait3A_695] : memref<32x!tpu.dma_semaphore, #tpu.memory_space<semaphore_mem>> -> memref<1x!tpu.dma_semaphore, #tpu.memory_space<semaphore_mem>>
      %dma_wait3A_697 = tpu.memref_squeeze %dma_wait3A_696 : memref<1x!tpu.dma_semaphore, #tpu.memory_space<semaphore_mem>> -> memref<!tpu.dma_semaphore, #tpu.memory_space<semaphore_mem>>
      %dma_wait3A_698 = arith.constant 0 : i32
      %dma_wait3A_699 = tpu.memref_slice %arg9[%dma_wait3A_694, %dma_wait3A_698] : memref<32x64xf32, #tpu.memory_space<vmem>> -> memref<1x64xf32, #tpu.memory_space<vmem>>
      %dma_wait3A_700 = tpu.memref_squeeze %dma_wait3A_699 : memref<1x64xf32, #tpu.memory_space<vmem>> -> memref<64xf32, #tpu.memory_space<vmem>>
      %dma_wait3A_701 = arith.constant 0 : i32
      %dma_wait3A_702 = tpu.memref_slice %arg2[%get3A_693, %dma_wait3A_701] : memref<1000000x64xf32, #tpu.memory_space<any>> -> memref<1x64xf32, #tpu.memory_space<any>>
      %dma_wait3A_703 = tpu.memref_squeeze %dma_wait3A_702 : memref<1x64xf32, #tpu.memory_space<any>> -> memref<64xf32, #tpu.memory_space<any>>
      tpu.wait_dma2 semaphore(%dma_wait3A_697 : memref<!tpu.dma_semaphore, #tpu.memory_space<semaphore_mem>>) src(%dma_wait3A_703 : memref<64xf32, #tpu.memory_space<any>>) dst(%dma_wait3A_700 : memref<64xf32, #tpu.memory_space<vmem>>)
      %get3A_704 = arith.constant 23 : index
      %get3A_705 = memref.load %arg1[%get3A_704] : memref<32xi32, #tpu.memory_space<smem>>
      %dma_wait3A_706 = arith.constant 23 : i32
      %dma_wait3A_707 = arith.constant 23 : i32
      %dma_wait3A_708 = tpu.memref_slice %arg10[%dma_wait3A_707] : memref<32x!tpu.dma_semaphore, #tpu.memory_space<semaphore_mem>> -> memref<1x!tpu.dma_semaphore, #tpu.memory_space<semaphore_mem>>
      %dma_wait3A_709 = tpu.memref_squeeze %dma_wait3A_708 : memref<1x!tpu.dma_semaphore, #tpu.memory_space<semaphore_mem>> -> memref<!tpu.dma_semaphore, #tpu.memory_space<semaphore_mem>>
      %dma_wait3A_710 = arith.constant 0 : i32
      %dma_wait3A_711 = tpu.memref_slice %arg9[%dma_wait3A_706, %dma_wait3A_710] : memref<32x64xf32, #tpu.memory_space<vmem>> -> memref<1x64xf32, #tpu.memory_space<vmem>>
      %dma_wait3A_712 = tpu.memref_squeeze %dma_wait3A_711 : memref<1x64xf32, #tpu.memory_space<vmem>> -> memref<64xf32, #tpu.memory_space<vmem>>
      %dma_wait3A_713 = arith.constant 0 : i32
      %dma_wait3A_714 = tpu.memref_slice %arg2[%get3A_705, %dma_wait3A_713] : memref<1000000x64xf32, #tpu.memory_space<any>> -> memref<1x64xf32, #tpu.memory_space<any>>
      %dma_wait3A_715 = tpu.memref_squeeze %dma_wait3A_714 : memref<1x64xf32, #tpu.memory_space<any>> -> memref<64xf32, #tpu.memory_space<any>>
      tpu.wait_dma2 semaphore(%dma_wait3A_709 : memref<!tpu.dma_semaphore, #tpu.memory_space<semaphore_mem>>) src(%dma_wait3A_715 : memref<64xf32, #tpu.memory_space<any>>) dst(%dma_wait3A_712 : memref<64xf32, #tpu.memory_space<vmem>>)
      %get3A_716 = arith.constant 24 : index
      %get3A_717 = memref.load %arg1[%get3A_716] : memref<32xi32, #tpu.memory_space<smem>>
      %dma_wait3A_718 = arith.constant 24 : i32
      %dma_wait3A_719 = arith.constant 24 : i32
      %dma_wait3A_720 = tpu.memref_slice %arg10[%dma_wait3A_719] : memref<32x!tpu.dma_semaphore, #tpu.memory_space<semaphore_mem>> -> memref<1x!tpu.dma_semaphore, #tpu.memory_space<semaphore_mem>>
      %dma_wait3A_721 = tpu.memref_squeeze %dma_wait3A_720 : memref<1x!tpu.dma_semaphore, #tpu.memory_space<semaphore_mem>> -> memref<!tpu.dma_semaphore, #tpu.memory_space<semaphore_mem>>
      %dma_wait3A_722 = arith.constant 0 : i32
      %dma_wait3A_723 = tpu.memref_slice %arg9[%dma_wait3A_718, %dma_wait3A_722] : memref<32x64xf32, #tpu.memory_space<vmem>> -> memref<1x64xf32, #tpu.memory_space<vmem>>
      %dma_wait3A_724 = tpu.memref_squeeze %dma_wait3A_723 : memref<1x64xf32, #tpu.memory_space<vmem>> -> memref<64xf32, #tpu.memory_space<vmem>>
      %dma_wait3A_725 = arith.constant 0 : i32
      %dma_wait3A_726 = tpu.memref_slice %arg2[%get3A_717, %dma_wait3A_725] : memref<1000000x64xf32, #tpu.memory_space<any>> -> memref<1x64xf32, #tpu.memory_space<any>>
      %dma_wait3A_727 = tpu.memref_squeeze %dma_wait3A_726 : memref<1x64xf32, #tpu.memory_space<any>> -> memref<64xf32, #tpu.memory_space<any>>
      tpu.wait_dma2 semaphore(%dma_wait3A_721 : memref<!tpu.dma_semaphore, #tpu.memory_space<semaphore_mem>>) src(%dma_wait3A_727 : memref<64xf32, #tpu.memory_space<any>>) dst(%dma_wait3A_724 : memref<64xf32, #tpu.memory_space<vmem>>)
      %get3A_728 = arith.constant 25 : index
      %get3A_729 = memref.load %arg1[%get3A_728] : memref<32xi32, #tpu.memory_space<smem>>
      %dma_wait3A_730 = arith.constant 25 : i32
      %dma_wait3A_731 = arith.constant 25 : i32
      %dma_wait3A_732 = tpu.memref_slice %arg10[%dma_wait3A_731] : memref<32x!tpu.dma_semaphore, #tpu.memory_space<semaphore_mem>> -> memref<1x!tpu.dma_semaphore, #tpu.memory_space<semaphore_mem>>
      %dma_wait3A_733 = tpu.memref_squeeze %dma_wait3A_732 : memref<1x!tpu.dma_semaphore, #tpu.memory_space<semaphore_mem>> -> memref<!tpu.dma_semaphore, #tpu.memory_space<semaphore_mem>>
      %dma_wait3A_734 = arith.constant 0 : i32
      %dma_wait3A_735 = tpu.memref_slice %arg9[%dma_wait3A_730, %dma_wait3A_734] : memref<32x64xf32, #tpu.memory_space<vmem>> -> memref<1x64xf32, #tpu.memory_space<vmem>>
      %dma_wait3A_736 = tpu.memref_squeeze %dma_wait3A_735 : memref<1x64xf32, #tpu.memory_space<vmem>> -> memref<64xf32, #tpu.memory_space<vmem>>
      %dma_wait3A_737 = arith.constant 0 : i32
      %dma_wait3A_738 = tpu.memref_slice %arg2[%get3A_729, %dma_wait3A_737] : memref<1000000x64xf32, #tpu.memory_space<any>> -> memref<1x64xf32, #tpu.memory_space<any>>
      %dma_wait3A_739 = tpu.memref_squeeze %dma_wait3A_738 : memref<1x64xf32, #tpu.memory_space<any>> -> memref<64xf32, #tpu.memory_space<any>>
      tpu.wait_dma2 semaphore(%dma_wait3A_733 : memref<!tpu.dma_semaphore, #tpu.memory_space<semaphore_mem>>) src(%dma_wait3A_739 : memref<64xf32, #tpu.memory_space<any>>) dst(%dma_wait3A_736 : memref<64xf32, #tpu.memory_space<vmem>>)
      %get3A_740 = arith.constant 26 : index
      %get3A_741 = memref.load %arg1[%get3A_740] : memref<32xi32, #tpu.memory_space<smem>>
      %dma_wait3A_742 = arith.constant 26 : i32
      %dma_wait3A_743 = arith.constant 26 : i32
      %dma_wait3A_744 = tpu.memref_slice %arg10[%dma_wait3A_743] : memref<32x!tpu.dma_semaphore, #tpu.memory_space<semaphore_mem>> -> memref<1x!tpu.dma_semaphore, #tpu.memory_space<semaphore_mem>>
      %dma_wait3A_745 = tpu.memref_squeeze %dma_wait3A_744 : memref<1x!tpu.dma_semaphore, #tpu.memory_space<semaphore_mem>> -> memref<!tpu.dma_semaphore, #tpu.memory_space<semaphore_mem>>
      %dma_wait3A_746 = arith.constant 0 : i32
      %dma_wait3A_747 = tpu.memref_slice %arg9[%dma_wait3A_742, %dma_wait3A_746] : memref<32x64xf32, #tpu.memory_space<vmem>> -> memref<1x64xf32, #tpu.memory_space<vmem>>
      %dma_wait3A_748 = tpu.memref_squeeze %dma_wait3A_747 : memref<1x64xf32, #tpu.memory_space<vmem>> -> memref<64xf32, #tpu.memory_space<vmem>>
      %dma_wait3A_749 = arith.constant 0 : i32
      %dma_wait3A_750 = tpu.memref_slice %arg2[%get3A_741, %dma_wait3A_749] : memref<1000000x64xf32, #tpu.memory_space<any>> -> memref<1x64xf32, #tpu.memory_space<any>>
      %dma_wait3A_751 = tpu.memref_squeeze %dma_wait3A_750 : memref<1x64xf32, #tpu.memory_space<any>> -> memref<64xf32, #tpu.memory_space<any>>
      tpu.wait_dma2 semaphore(%dma_wait3A_745 : memref<!tpu.dma_semaphore, #tpu.memory_space<semaphore_mem>>) src(%dma_wait3A_751 : memref<64xf32, #tpu.memory_space<any>>) dst(%dma_wait3A_748 : memref<64xf32, #tpu.memory_space<vmem>>)
      %get3A_752 = arith.constant 27 : index
      %get3A_753 = memref.load %arg1[%get3A_752] : memref<32xi32, #tpu.memory_space<smem>>
      %dma_wait3A_754 = arith.constant 27 : i32
      %dma_wait3A_755 = arith.constant 27 : i32
      %dma_wait3A_756 = tpu.memref_slice %arg10[%dma_wait3A_755] : memref<32x!tpu.dma_semaphore, #tpu.memory_space<semaphore_mem>> -> memref<1x!tpu.dma_semaphore, #tpu.memory_space<semaphore_mem>>
      %dma_wait3A_757 = tpu.memref_squeeze %dma_wait3A_756 : memref<1x!tpu.dma_semaphore, #tpu.memory_space<semaphore_mem>> -> memref<!tpu.dma_semaphore, #tpu.memory_space<semaphore_mem>>
      %dma_wait3A_758 = arith.constant 0 : i32
      %dma_wait3A_759 = tpu.memref_slice %arg9[%dma_wait3A_754, %dma_wait3A_758] : memref<32x64xf32, #tpu.memory_space<vmem>> -> memref<1x64xf32, #tpu.memory_space<vmem>>
      %dma_wait3A_760 = tpu.memref_squeeze %dma_wait3A_759 : memref<1x64xf32, #tpu.memory_space<vmem>> -> memref<64xf32, #tpu.memory_space<vmem>>
      %dma_wait3A_761 = arith.constant 0 : i32
      %dma_wait3A_762 = tpu.memref_slice %arg2[%get3A_753, %dma_wait3A_761] : memref<1000000x64xf32, #tpu.memory_space<any>> -> memref<1x64xf32, #tpu.memory_space<any>>
      %dma_wait3A_763 = tpu.memref_squeeze %dma_wait3A_762 : memref<1x64xf32, #tpu.memory_space<any>> -> memref<64xf32, #tpu.memory_space<any>>
      tpu.wait_dma2 semaphore(%dma_wait3A_757 : memref<!tpu.dma_semaphore, #tpu.memory_space<semaphore_mem>>) src(%dma_wait3A_763 : memref<64xf32, #tpu.memory_space<any>>) dst(%dma_wait3A_760 : memref<64xf32, #tpu.memory_space<vmem>>)
      %get3A_764 = arith.constant 28 : index
      %get3A_765 = memref.load %arg1[%get3A_764] : memref<32xi32, #tpu.memory_space<smem>>
      %dma_wait3A_766 = arith.constant 28 : i32
      %dma_wait3A_767 = arith.constant 28 : i32
      %dma_wait3A_768 = tpu.memref_slice %arg10[%dma_wait3A_767] : memref<32x!tpu.dma_semaphore, #tpu.memory_space<semaphore_mem>> -> memref<1x!tpu.dma_semaphore, #tpu.memory_space<semaphore_mem>>
      %dma_wait3A_769 = tpu.memref_squeeze %dma_wait3A_768 : memref<1x!tpu.dma_semaphore, #tpu.memory_space<semaphore_mem>> -> memref<!tpu.dma_semaphore, #tpu.memory_space<semaphore_mem>>
      %dma_wait3A_770 = arith.constant 0 : i32
      %dma_wait3A_771 = tpu.memref_slice %arg9[%dma_wait3A_766, %dma_wait3A_770] : memref<32x64xf32, #tpu.memory_space<vmem>> -> memref<1x64xf32, #tpu.memory_space<vmem>>
      %dma_wait3A_772 = tpu.memref_squeeze %dma_wait3A_771 : memref<1x64xf32, #tpu.memory_space<vmem>> -> memref<64xf32, #tpu.memory_space<vmem>>
      %dma_wait3A_773 = arith.constant 0 : i32
      %dma_wait3A_774 = tpu.memref_slice %arg2[%get3A_765, %dma_wait3A_773] : memref<1000000x64xf32, #tpu.memory_space<any>> -> memref<1x64xf32, #tpu.memory_space<any>>
      %dma_wait3A_775 = tpu.memref_squeeze %dma_wait3A_774 : memref<1x64xf32, #tpu.memory_space<any>> -> memref<64xf32, #tpu.memory_space<any>>
      tpu.wait_dma2 semaphore(%dma_wait3A_769 : memref<!tpu.dma_semaphore, #tpu.memory_space<semaphore_mem>>) src(%dma_wait3A_775 : memref<64xf32, #tpu.memory_space<any>>) dst(%dma_wait3A_772 : memref<64xf32, #tpu.memory_space<vmem>>)
      %get3A_776 = arith.constant 29 : index
      %get3A_777 = memref.load %arg1[%get3A_776] : memref<32xi32, #tpu.memory_space<smem>>
      %dma_wait3A_778 = arith.constant 29 : i32
      %dma_wait3A_779 = arith.constant 29 : i32
      %dma_wait3A_780 = tpu.memref_slice %arg10[%dma_wait3A_779] : memref<32x!tpu.dma_semaphore, #tpu.memory_space<semaphore_mem>> -> memref<1x!tpu.dma_semaphore, #tpu.memory_space<semaphore_mem>>
      %dma_wait3A_781 = tpu.memref_squeeze %dma_wait3A_780 : memref<1x!tpu.dma_semaphore, #tpu.memory_space<semaphore_mem>> -> memref<!tpu.dma_semaphore, #tpu.memory_space<semaphore_mem>>
      %dma_wait3A_782 = arith.constant 0 : i32
      %dma_wait3A_783 = tpu.memref_slice %arg9[%dma_wait3A_778, %dma_wait3A_782] : memref<32x64xf32, #tpu.memory_space<vmem>> -> memref<1x64xf32, #tpu.memory_space<vmem>>
      %dma_wait3A_784 = tpu.memref_squeeze %dma_wait3A_783 : memref<1x64xf32, #tpu.memory_space<vmem>> -> memref<64xf32, #tpu.memory_space<vmem>>
      %dma_wait3A_785 = arith.constant 0 : i32
      %dma_wait3A_786 = tpu.memref_slice %arg2[%get3A_777, %dma_wait3A_785] : memref<1000000x64xf32, #tpu.memory_space<any>> -> memref<1x64xf32, #tpu.memory_space<any>>
      %dma_wait3A_787 = tpu.memref_squeeze %dma_wait3A_786 : memref<1x64xf32, #tpu.memory_space<any>> -> memref<64xf32, #tpu.memory_space<any>>
      tpu.wait_dma2 semaphore(%dma_wait3A_781 : memref<!tpu.dma_semaphore, #tpu.memory_space<semaphore_mem>>) src(%dma_wait3A_787 : memref<64xf32, #tpu.memory_space<any>>) dst(%dma_wait3A_784 : memref<64xf32, #tpu.memory_space<vmem>>)
      %get3A_788 = arith.constant 30 : index
      %get3A_789 = memref.load %arg1[%get3A_788] : memref<32xi32, #tpu.memory_space<smem>>
      %dma_wait3A_790 = arith.constant 30 : i32
      %dma_wait3A_791 = arith.constant 30 : i32
      %dma_wait3A_792 = tpu.memref_slice %arg10[%dma_wait3A_791] : memref<32x!tpu.dma_semaphore, #tpu.memory_space<semaphore_mem>> -> memref<1x!tpu.dma_semaphore, #tpu.memory_space<semaphore_mem>>
      %dma_wait3A_793 = tpu.memref_squeeze %dma_wait3A_792 : memref<1x!tpu.dma_semaphore, #tpu.memory_space<semaphore_mem>> -> memref<!tpu.dma_semaphore, #tpu.memory_space<semaphore_mem>>
      %dma_wait3A_794 = arith.constant 0 : i32
      %dma_wait3A_795 = tpu.memref_slice %arg9[%dma_wait3A_790, %dma_wait3A_794] : memref<32x64xf32, #tpu.memory_space<vmem>> -> memref<1x64xf32, #tpu.memory_space<vmem>>
      %dma_wait3A_796 = tpu.memref_squeeze %dma_wait3A_795 : memref<1x64xf32, #tpu.memory_space<vmem>> -> memref<64xf32, #tpu.memory_space<vmem>>
      %dma_wait3A_797 = arith.constant 0 : i32
      %dma_wait3A_798 = tpu.memref_slice %arg2[%get3A_789, %dma_wait3A_797] : memref<1000000x64xf32, #tpu.memory_space<any>> -> memref<1x64xf32, #tpu.memory_space<any>>
      %dma_wait3A_799 = tpu.memref_squeeze %dma_wait3A_798 : memref<1x64xf32, #tpu.memory_space<any>> -> memref<64xf32, #tpu.memory_space<any>>
      tpu.wait_dma2 semaphore(%dma_wait3A_793 : memref<!tpu.dma_semaphore, #tpu.memory_space<semaphore_mem>>) src(%dma_wait3A_799 : memref<64xf32, #tpu.memory_space<any>>) dst(%dma_wait3A_796 : memref<64xf32, #tpu.memory_space<vmem>>)
      %get3A_800 = arith.constant 31 : index
      %get3A_801 = memref.load %arg1[%get3A_800] : memref<32xi32, #tpu.memory_space<smem>>
      %dma_wait3A_802 = arith.constant 31 : i32
      %dma_wait3A_803 = arith.constant 31 : i32
      %dma_wait3A_804 = tpu.memref_slice %arg10[%dma_wait3A_803] : memref<32x!tpu.dma_semaphore, #tpu.memory_space<semaphore_mem>> -> memref<1x!tpu.dma_semaphore, #tpu.memory_space<semaphore_mem>>
      %dma_wait3A_805 = tpu.memref_squeeze %dma_wait3A_804 : memref<1x!tpu.dma_semaphore, #tpu.memory_space<semaphore_mem>> -> memref<!tpu.dma_semaphore, #tpu.memory_space<semaphore_mem>>
      %dma_wait3A_806 = arith.constant 0 : i32
      %dma_wait3A_807 = tpu.memref_slice %arg9[%dma_wait3A_802, %dma_wait3A_806] : memref<32x64xf32, #tpu.memory_space<vmem>> -> memref<1x64xf32, #tpu.memory_space<vmem>>
      %dma_wait3A_808 = tpu.memref_squeeze %dma_wait3A_807 : memref<1x64xf32, #tpu.memory_space<vmem>> -> memref<64xf32, #tpu.memory_space<vmem>>
      %dma_wait3A_809 = arith.constant 0 : i32
      %dma_wait3A_810 = tpu.memref_slice %arg2[%get3A_801, %dma_wait3A_809] : memref<1000000x64xf32, #tpu.memory_space<any>> -> memref<1x64xf32, #tpu.memory_space<any>>
      %dma_wait3A_811 = tpu.memref_squeeze %dma_wait3A_810 : memref<1x64xf32, #tpu.memory_space<any>> -> memref<64xf32, #tpu.memory_space<any>>
      tpu.wait_dma2 semaphore(%dma_wait3A_805 : memref<!tpu.dma_semaphore, #tpu.memory_space<semaphore_mem>>) src(%dma_wait3A_811 : memref<64xf32, #tpu.memory_space<any>>) dst(%dma_wait3A_808 : memref<64xf32, #tpu.memory_space<vmem>>)
    } else {
    }
    %get3A = arith.constant 0 : index
    %get3A_2 = arith.constant 0 : index
    %get3A_3 = vector.load %arg9[%get3A, %get3A_2] : memref<32x64xf32, #tpu.memory_space<vmem>>, vector<32x64xf32>
    %reduce_sum3A = arith.constant dense<0.000000e+00> : vector<32xf32>
    %reduce_sum3A_4 = vector.multi_reduction <add>, %get3A_3, %reduce_sum3A [1] : vector<32x64xf32> to vector<32xf32>
    %broadcast_in_dim3A = vector.shape_cast %reduce_sum3A_4 : vector<32xf32> to vector<32x1xf32>
    %div3A = arith.constant 6.400000e+01 : f32
    %div3A_5 = vector.broadcast %div3A : f32 to vector<32x1xf32>
    %div3A_6 = arith.divf %broadcast_in_dim3A, %div3A_5 : vector<32x1xf32>
    %sub3A = vector.broadcast %div3A_6 : vector<32x1xf32> to vector<32x64xf32>
    %sub3A_7 = arith.subf %get3A_3, %sub3A : vector<32x64xf32>
    %sub3A_8 = vector.broadcast %div3A_6 : vector<32x1xf32> to vector<32x64xf32>
    %sub3A_9 = arith.subf %get3A_3, %sub3A_8 : vector<32x64xf32>
    %mul3A = arith.mulf %sub3A_7, %sub3A_9 : vector<32x64xf32>
    %reduce_sum3A_10 = arith.constant dense<0.000000e+00> : vector<32xf32>
    %reduce_sum3A_11 = vector.multi_reduction <add>, %mul3A, %reduce_sum3A_10 [1] : vector<32x64xf32> to vector<32xf32>
    %broadcast_in_dim3A_12 = vector.shape_cast %reduce_sum3A_11 : vector<32xf32> to vector<32x1xf32>
    %div3A_13 = arith.constant 6.400000e+01 : f32
    %div3A_14 = vector.broadcast %div3A_13 : f32 to vector<32x1xf32>
    %div3A_15 = arith.divf %broadcast_in_dim3A_12, %div3A_14 : vector<32x1xf32>
    %sub3A_16 = vector.broadcast %div3A_6 : vector<32x1xf32> to vector<32x64xf32>
    %sub3A_17 = arith.subf %get3A_3, %sub3A_16 : vector<32x64xf32>
    %add3A = arith.constant 9.99999974E-6 : f32
    %add3A_18 = vector.broadcast %add3A : f32 to vector<32x1xf32>
    %add3A_19 = arith.addf %div3A_15, %add3A_18 : vector<32x1xf32>
    %rsqrt3A = math.rsqrt %add3A_19 : vector<32x1xf32>
    %mul3A_20 = vector.broadcast %rsqrt3A : vector<32x1xf32> to vector<32x64xf32>
    %mul3A_21 = arith.mulf %sub3A_17, %mul3A_20 : vector<32x64xf32>
    %get3A_22 = arith.constant 0 : index
    %get3A_23 = arith.constant 0 : index
    %get3A_24 = vector.load %arg3[%get3A_22, %get3A_23] : memref<1x64xf32, #tpu.memory_space<vmem>>, vector<1x64xf32>
    %mul3A_25 = vector.broadcast %get3A_24 : vector<1x64xf32> to vector<32x64xf32>
    %mul3A_26 = arith.mulf %mul3A_21, %mul3A_25 : vector<32x64xf32>
    %get3A_27 = arith.constant 0 : index
    %get3A_28 = arith.constant 0 : index
    %get3A_29 = vector.load %arg4[%get3A_27, %get3A_28] : memref<1x64xf32, #tpu.memory_space<vmem>>, vector<1x64xf32>
    %add3A_30 = vector.broadcast %get3A_29 : vector<1x64xf32> to vector<32x64xf32>
    %add3A_31 = arith.addf %mul3A_26, %add3A_30 : vector<32x64xf32>
    %get3A_32 = arith.constant 0 : index
    %get3A_33 = arith.constant 0 : index
    %get3A_34 = vector.load %arg5[%get3A_32, %get3A_33] : memref<8192x64xf32, #tpu.memory_space<vmem>>, vector<8192x64xf32>
    %dot_general3A = arith.constant dense<0.000000e+00> : vector<32x8192xf32>
    %dot_general3A_35 = tpu.matmul %add3A_31, %get3A_34, %dot_general3A {dimension_numbers = #tpu.dot_dimension_numbers<[1], [1], [0], [0], [0, 0, 1, 0], [], []>, transpose_lhs_hint = false} : vector<32x64xf32>, vector<8192x64xf32>, vector<32x8192xf32> -> vector<32x8192xf32>
    %get3A_36 = arith.constant 0 : index
    %get3A_37 = vector.load %arg6[%get3A_36] : memref<8192xf32, #tpu.memory_space<vmem>>, vector<8192xf32>
    %get3A_38 = arith.constant 0 : index
    %get3A_39 = vector.load %arg7[%get3A_38] : memref<8192xf32, #tpu.memory_space<vmem>>, vector<8192xf32>
    %add3A_40 = arith.addf %get3A_37, %get3A_39 : vector<8192xf32>
    %broadcast_in_dim3A_41 = vector.shape_cast %add3A_40 : vector<8192xf32> to vector<1x8192xf32>
    %add3A_42 = vector.broadcast %broadcast_in_dim3A_41 : vector<1x8192xf32> to vector<32x8192xf32>
    %add3A_43 = arith.addf %dot_general3A_35, %add3A_42 : vector<32x8192xf32>
    %swap3A = arith.constant 0 : index
    %swap3A_44 = arith.constant 0 : index
    %swap3A_45 = vector.load %arg8[%swap3A, %swap3A_44] : memref<32x8192xf32, #tpu.memory_space<vmem>>, vector<32x8192xf32>
    tpu.vector_store %arg8[%swap3A, %swap3A_44], %add3A_43 {strides = array<i32>} : memref<32x8192xf32, #tpu.memory_space<vmem>>, vector<32x8192xf32>,
    return
  }
  func.func @transform_1(%arg0: i32, %arg1: memref<32xi32, #tpu.memory_space<smem>>) -> (i32, i32) {
    %c0_i32 = arith.constant 0 : i32
    %c0_i32_0 = arith.constant 0 : i32
    %c0_i32_1 = arith.constant 0 : i32
    return %c0_i32, %c0_i32_0 : i32, i32
  }
  func.func @transform_2(%arg0: i32, %arg1: memref<32xi32, #tpu.memory_space<smem>>) -> (i32, i32) {
    %c0_i32 = arith.constant 0 : i32
    %c0_i32_0 = arith.constant 0 : i32
    %c0_i32_1 = arith.constant 0 : i32
    return %c0_i32, %c0_i32_0 : i32, i32
  }
  func.func @transform_3(%arg0: i32, %arg1: memref<32xi32, #tpu.memory_space<smem>>) -> (i32, i32) {
    %c0_i32 = arith.constant 0 : i32
    %c0_i32_0 = arith.constant 0 : i32
    return %arg0, %c0_i32 : i32, i32
  }
  func.func @transform_4(%arg0: i32, %arg1: memref<32xi32, #tpu.memory_space<smem>>) -> i32 {
    %c0_i32 = arith.constant 0 : i32
    return %arg0 : i32
  }
  func.func @transform_5(%arg0: i32, %arg1: memref<32xi32, #tpu.memory_space<smem>>) -> i32 {
    %c0_i32 = arith.constant 0 : i32
    return %arg0 : i32
  }
  func.func @transform_6(%arg0: i32, %arg1: memref<32xi32, #tpu.memory_space<smem>>) -> (i32, i32) {
    %c0_i32 = arith.constant 0 : i32
    %c0_i32_0 = arith.constant 0 : i32
    return %c0_i32, %arg0 : i32, i32
  }
}

</mosaic_0001>

<sc_bundles>
// kernel: sparse-core-data-format-call.cloned.1.call-start
scs
called_computation_lowered:
.L_overlay_start_0:
0x0: {  	s2 =	sld [smem:$0x3FD9]  }
0x1: {  	s3 =	sld [smem:$0x3FFE];
	_ =	sdelay $0x1  }
0x2: {  	s1 =	srdreg.scid  }
0x3: {  	s0 =	sand.u32 $0x1, s1  }
0x4: {  	s18 =	sshll.u32 s0, $0xA;
	s2 =	sadd.s32 s3, s2  }
0x5: {  	s2 =	sadd.s32 s2, s18  }
0x6: {  	[smem:$0x3FC1] =	sst s2  }
0x7: {  	_ = 	snop  }
0x8: {  	s2 =	sld [smem:$0x3FD0];
	(tm) =	ssettm $0x1  }
0x9: {  	s19 =	sld [smem:$0x3FFB];
	_ =	sdelay $0x3  }
0xa: {  	_ =	strace s19  }
0xb: {  	s3 =	sld [smem:$0x3FFC];
	_ =	sdelay $0x3  }
0xc: {  	_ =	strace s3  }
0xd: {  	s3 =	sld [smem:$0x3FFD];
	_ =	sdelay $0x3  }
0xe: {  	_ =	strace s3  }
0xf: {  	_ =	strace $0x8FFFFFFF  }
0x10: {  	s20 =	sld [smem:$0x3FDB];
	_ =	sdelay $0x1  }
0x11: {  	s4 =	simm.s32 $_scs_section_size  }
0x12: {  	s5 =	simm.s32 $_size__tile_overlayer_lowered;
	s6 =	simm.s32 $_tile_overlayer_lowered  }
0x13: {  	s23 =	simm.s32 $0x1BFF;
	s22 =	sshll.u32 s6, $0x1;
	s3 =	sadd.s32 s4, s20  }
0x14: {  	s7 =	simm.s32 $0x0;
	s21 =	sshll.u32 s5, $0x1;
	s5 =	sadd.s32 s22, s3  }
0x15: {  	[timem:s7], [sflag:s23] =	dma.local [hbm:s5], s21  }
0x16: {  	_ =	swait.ge [sflag:s23], s21  }
0x17: {  	s4 =	ssub.s32 $0x0, s21;
	[sflag:s23] =	ssyncset.done $0x0  }
0x18: {  	[sflag:s23] =	ssyncadd.s32 s4;
	_ =	sdelay $0x1  }
0x19: {  	s24 =	simm.s32 $0x1B8B  }
0x1a: {  	_ =	swait.ge [sflag:s24], $0x1  }
0x1b: {  	[sflag:s24] =	ssyncset.done $0x0  }
0x1c: {  	s26 =	simm.s32 $0x1B8E;
	s25 =	sld [smem:$0x3FFE];
	[sflag:s24] =	ssyncadd.s32 $0xFFFFFFFF  }
0x1d: {  	s27 =	simm.s32 $execute0_lowered;
	[smem:$0x3FD2] =	sst s26  }
0x1e: {  	s5 =	sshll.u32 s27, $0x1;
	_ =	strace $0x80000046;
	[dreg:$0x1] =	wrdreg $0xFFFFFFFF  }
0x1f: {  	s28 =	simm.s32 $_size_execute0_lowered;
	s3 =	sadd.s32 s3, s5;
	[dreg:$0x0] =	wrdreg $0x0  }
0x20: {  	s5 =	sshll.u32 s28, $0x1;
	[dreg:$0x2] =	wrdreg s3  }
0x21: {  	[dreg:$0x3] =	wrdreg s5  }
0x22: {  	[dreg:$0x4] =	wrdreg $0xC0  }
0x23: {  	_ =	task [dreg:s7], $0x5FFFF  }
0x24: {  	[dreg:$0x1] =	wrdreg $0xFFFFFFFF  }
0x25: {  	[dreg:$0x0] =	wrdreg $0x60  }
0x26: {  	[dreg:$0x2] =	wrdreg s25  }
0x27: {  	[dreg:$0x3] =	wrdreg s2  }
0x28: {  	[dreg:$0x4] =	wrdreg $0x9  }
0x29: {  	_ =	task.clear_ibuf [dreg:s7], $0x5FFFF;
	_ =	strace $0x90000046  }
0x2a: {  	s29 =	simm.s32 $0x9;
	_ =	strace $0x80000048  }
0x2b: {  	_ =	swait.ge [sflag:s29], $0x1  }
0x2c: {  	[sflag:s29] =	ssyncadd.s32 $0xFFFFFFFF  }
0x2d: {  	_ =	strace $0x90000048  }
0x2e: {  	_ =	sfence  }
0x2f: {  	s30 =	sld [smem:$0x0];
	_ =	sdelay $0x2  }
0x30: {  	s31 =	sshll.u32 s1, $0xD;
	s1 =	sshrl.u32 s1, $0x2  }
0x31: {  	s3 =	sand.u32 $0x4000, s31;
	s1 =	sadd.s32 s1, s30  }
0x32: {  	s0 =	sor.u32 s3, s0;
	s1 =	sshll.u32 s1, $0x11  }
0x33: {  	s0 =	sor.u32 s1, s0  }
0x34: {  	s0 =	sadd.s32 $0x8F2B, s0  }
0x35: {  	[sflag:s0] =	ssyncadd.remote.s32 $0x1  }
0x36: {  	_ =	sfence.sel $0xFFFF  }
0x37: {  	[dreg:$0x0] =	wrdreg $0xFFFFFFFF;
	(pc) =	sbr.abs _section_cstart, $3  }
0x38: {  	[dreg:$0x1] =	wrdreg $0xFFFFFFFF  }
0x39: {  	_ =	task.clear_ibuf [dreg:s7], $0x2FFFF;
	_ =	strace $0x9FFFFFFF  }
0x3a: {  	(tm) =	ssettm $0x7FFFFFFF  }
0x3b: {  	_ =	shalt  }
tec
execute0_lowered:
.L_overlay_start_1:
0x0: {  	(tag) =	ssettag $0x1  }
0x1: {  	s0 =	srdreg.scid;
	s6 =	rddreg [dreg:$0x0]  }
0x2: {  	s2 =	rddreg [dreg:$0x1];
	s4 =	simm.s32 $0x1;
	s7 =	simm.s32 $0x2  }
0x3: {  	s13 =	simm.s32 $0x0;
	s8 =	simm.s32 $0xF4280;
	s1 =	sshll.u32 s0, $0x4  }
0x4: {  	s9 =	simm.s32 $0x0;
	s0 =	stileid.u32;
	s1 =	sand.u32 $0x10, s1  }
.Ltmp0:
0x5: {  	s14 =	simm.s32 $0x0;
	s3 =	sor.u32 s0, s1;
	(pc) =	sbr.rel .LBB1_1-.Ltmp0, $4  }
0x6: {  	s11 =	simm.s32 $0x0;
	s12 =	simm.s32 $0x0;
	s3 =	sshll.u32 s3, $0x7  }
0x7: {  	s1 =	rddreg [dreg:$0x2];
	_ =	strace $0x80000047;
	s5 =	ssub.s32 $0xF4200, s3  }
0x8: {  	s6 =	sadd.s32 $0x1E85600, s6;
	[sflag:s4] =	ssyncpa.u1 $0x0;
	s5 =	sshrl.u32 s5, $0xC  }
0x9: {  	[sflag:s7] =	ssyncpa.u1 $0x0;
	s10 =	smov.u32 s3;
	s7 =	sadd.s32 $0x2, s5  }
.LBB1_5:
0xa: {  	s15 =	sadd.s32 $0x1000, s10  }
0xb: {  	s13 =	sadd.s32 $0x20, s11;
	s17 =	smov.u32 s11;
	p1 =	sgt.s32 s15, $0xF423F  }
0xc: {  	s17 =	smov.u32 @p1 s13  }
0xd: {  	s15 =	smov.u32 @p1 s3;
	p1 =	sgt.s32 s17, $0x1F  }
0xe: {  	s17 =	simm.s32 @p1 $0x0;
	p1 =	sne.s32 s12, s7  }
.Ltmp1:
0xf: {  	p0 =	slt.u32 s12, $0x2;
	(pc) =	sbr.rel @!p1 .LBB1_6-.Ltmp1, $4  }
0x10: {  	s16 =	simm.s32 @!p0 $0x2  }
0x11: {  	s14 =	smov.u32 s11;
	s9 =	sadd.s32 $0x1000, s9;
	_ =	swait.ge @!p0 [sflag:s16], $0x1000  }
0x12: {  	s13 =	smov.u32 s10;
	[sflag:s16] =	ssyncset.done @!p0 $0x0;
	s10 =	smov.u32 s15  }
0x13: {  	s12 =	sadd.s32 $0x1, s12;
	[sflag:s16] =	ssyncadd.s32 @!p0 $0xFFFFF000;
	s11 =	smov.u32 s17  }
.LBB1_1:
0x14: {  	p0 =	sgt.u32 s12, s5  }
0x15: {  	s15 =	sshrl.u32 @!p0 s11, $0x3  }
0x16: {  	s16 =	sshll.u32 @!p0 s10, $0x3;
	s15 =	smul.u32 @!p0 $0x7A1400, s15  }
0x17: {  	s17 =	sshll.u32 @!p0 s11, $0x7;
	s16 =	sand.u32 @!p0 $0xFFFFFC00, s16  }
0x18: {  	s15 =	sadd.s32 @!p0 s15, s16;
	s16 =	sand.u32 @!p0 $0x380, s17  }
0x19: {  	s17 =	sand.u32 @!p0 $0x7F, s10;
	s15 =	sor.u32 @!p0 s16, s15  }
0x1a: {  	s16 =	sor.u32 @!p0 s17, s15  }
0x1b: {  	s17 =	smulhi.u32 @!p0 $0x218D6287, s16;
	_ =	sdelay $0x1  }
0x1c: {  	s15 =	smulhi.u32 @!p0 $0x218D6287, s15;
	s17 =	sshrl.u32 @!p0 s17, $0x11  }
0x1d: {  	s17 =	smul.u32 @!p0 $0xF4280, s17  }
0x1e: {  	s18 =	sxor.u32 @!p0 $0xFFFFFFFF, s12;
	s15 =	sshrl.u32 @!p0 s15, $0x11  }
0x1f: {  	s18 =	sshll.u32 @!p0 s18, $0xC;
	s15 =	sand.u32 @!p0 $0x1F, s15;
	s16 =	ssub.s32 @!p0 s16, s17  }
0x20: {  	s15 =	smul.u32 @!p0 $0x1E850, s15;
	s17 =	sshrl.u32 @!p0 s16, $0x3;
	s16 =	sand.u32 @!p0 $0x7, s16  }
0x21: {  	s18 =	sand.u32 @!p0 $0x1000, s18;
	s17 =	sadd.s32 @!p0 s6, s17;
	s16 =	sshll.u32 @!p0 s16, $0x12  }
0x22: {  	s15 =	sadd.s32 @!p0 s15, s17;
	s16 =	sor.u32 @!p0 $0x400, s16;
	s17 =	simm.s32 @!p0 $0x7A1400  }
0x23: {  	[tilespmem:s18], [sflag:$0x1] =	stream.strided.gather @!p0 [hbm4b:s15+s16], $0x1000, s17, s16, $0x38;
	[tilespmem:$0x4000] =	vst v63  }
0x24: {  	p0 =	seq.s32 s12, $0x0  }
0x25: {  	p1 =	sge.u32 @!p0 s12, s7  }
0x26: {  	p0 =	por p0, p1  }
.Ltmp2:
0x27: {  	_ = 	snop;
	(pc) =	sbr.rel @p0 .LBB1_5-.Ltmp2, $1  }
0x28: {  	_ =	sdelay $0x3  }
0x29: {  	s15 =	sand.u32 $0x1000, s9  }
0x2a: {  	s16 =	sor.u32 $0x40, s15  }
0x2b: {  	v1 =	vmov s16;
	_ =	sdelay $0x1  }
0x2c: {  	_ =	swait.ge [sflag:s4], $0x1000  }
0x2d: {  	[sflag:s4] =	ssyncset.done $0x0  }
0x2e: {  	s17 =	simm.s32 $0x0;
	[sflag:s4] =	ssyncadd.s32 $0xFFFFF000  }
0x2f: {  	s15 =	sor.u32 $0x2070, s15;
	v7 =	vld.idx.msk [tilespmem:v1+s17+$0x30 ss:$0x1], $0xffff  }
0x30: {  	v0 =	vmov s15;
	v8 =	vld.idx.msk [tilespmem:v1+s17+$0xFFFFFFC0 ss:$0x1], $0xffff  }
0x31: {  	v6 =	vld.idx.msk [tilespmem:v1+s17+$0xFFFFFFD0 ss:$0x1], $0xffff  }
0x32: {  	v4 =	vld.idx.msk [tilespmem:v1+s17+$0xFFFFFFE0 ss:$0x1], $0xffff  }
0x33: {  	v2 =	vld.idx.msk [tilespmem:v1+s17+$0xFFFFFFF0 ss:$0x1], $0xffff  }
0x34: {  	s31 =	sshll.u32 s12, $0xC;
	v3 =	vld.idx.msk [tilespmem:v1+s17+$0x0 ss:$0x1], $0xffff  }
0x35: {  	s15 =	sand.u32 $0x1000, s31;
	v5 =	vld.idx.msk [tilespmem:v1+s17+$0x10 ss:$0x1], $0xffff;
	[tilespmem:v0+s17+$0x0 ss:$0x1] =	vst.idx.msk $0xffff, v7  }
0x36: {  	s18 =	simm.s32 $0x400;
	s16 =	simm.s32 $0x80;
	s15 =	sor.u32 $0x2000, s15;
	[tilespmem:v0+s17+$0xFFFFFF90 ss:$0x1] =	vst.idx.msk $0xffff, v8;
	v7 =	vld.idx.msk [tilespmem:v1+s17+$0x20 ss:$0x1], $0xffff  }
.LBB1_3:
0x37: {  	p0 =	sne.s32 s18, $0x3E00;
	v8 =	vld.idx.msk [tilespmem:v1+s16+$0x30 ss:$0x1], $0xffff;
	[tilespmem:v0+s17+$0xFFFFFFA0 ss:$0x1] =	vst.idx.msk $0xffff, v6  }
0x38: {  	v9 =	vld.idx.msk [tilespmem:v1+s16+$0xFFFFFFC0 ss:$0x1], $0xffff;
	[tilespmem:v0+s17+$0xFFFFFFB0 ss:$0x1] =	vst.idx.msk $0xffff, v4  }
0x39: {  	v6 =	vld.idx.msk [tilespmem:v1+s16+$0xFFFFFFD0 ss:$0x1], $0xffff;
	[tilespmem:v0+s17+$0xFFFFFFC0 ss:$0x1] =	vst.idx.msk $0xffff, v2  }
.Ltmp3:
0x3a: {  	v4 =	vld.idx.msk [tilespmem:v1+s16+$0xFFFFFFE0 ss:$0x1], $0xffff;
	[tilespmem:v0+s17+$0xFFFFFFD0 ss:$0x1] =	vst.idx.msk $0xffff, v3;
	(pc) =	sbr.rel @p0 .LBB1_3-.Ltmp3, $4  }
0x3b: {  	v2 =	vld.idx.msk [tilespmem:v1+s16+$0xFFFFFFF0 ss:$0x1], $0xffff;
	[tilespmem:v0+s17+$0xFFFFFFE0 ss:$0x1] =	vst.idx.msk $0xffff, v5  }
0x3c: {  	v3 =	vld.idx.msk [tilespmem:v1+s16+$0x0 ss:$0x1], $0xffff;
	[tilespmem:v0+s17+$0xFFFFFFF0 ss:$0x1] =	vst.idx.msk $0xffff, v7;
	s17 =	smov.u32 s16  }
0x3d: {  	v5 =	vld.idx.msk [tilespmem:v1+s17+$0x10 ss:$0x1], $0xffff;
	[tilespmem:v0+s17+$0x0 ss:$0x1] =	vst.idx.msk $0xffff, v8  }
0x3e: {  	s16 =	sshra.s32 s18, $0x2;
	s18 =	sadd.s32 $0x200, s18;
	[tilespmem:v0+s17+$0xFFFFFF90 ss:$0x1] =	vst.idx.msk $0xffff, v9;
	v7 =	vld.idx.msk [tilespmem:v1+s17+$0x20 ss:$0x1], $0xffff  }
0x3f: {  	_ =	sdelay $0x3  }
0x40: {  	[tilespmem:v0+s17+$0xFFFFFFA0 ss:$0x1] =	vst.idx.msk $0xffff, v6  }
0x41: {  	v56 =	vld.idx.msk [tilespmem:v1+s16+$0x30 ss:$0x1], $0xffff;
	[tilespmem:v0+s17+$0xFFFFFFB0 ss:$0x1] =	vst.idx.msk $0xffff, v4  }
0x42: {  	v57 =	vld.idx.msk [tilespmem:v1+s16+$0xFFFFFFC0 ss:$0x1], $0xffff;
	[tilespmem:v0+s17+$0xFFFFFFC0 ss:$0x1] =	vst.idx.msk $0xffff, v2  }
0x43: {  	v58 =	vld.idx.msk [tilespmem:v1+s16+$0xFFFFFFD0 ss:$0x1], $0xffff;
	[tilespmem:v0+s17+$0xFFFFFFD0 ss:$0x1] =	vst.idx.msk $0xffff, v3  }
0x44: {  	v59 =	vld.idx.msk [tilespmem:v1+s16+$0xFFFFFFE0 ss:$0x1], $0xffff;
	[tilespmem:v0+s17+$0xFFFFFFE0 ss:$0x1] =	vst.idx.msk $0xffff, v5  }
0x45: {  	v60 =	vld.idx.msk [tilespmem:v1+s16+$0xFFFFFFF0 ss:$0x1], $0xffff;
	s29 =	smulhi.u32 $0x218D6287, s13;
	[tilespmem:v0+s17+$0xFFFFFFF0 ss:$0x1] =	vst.idx.msk $0xffff, v7  }
0x46: {  	v61 =	vld.idx.msk [tilespmem:v1+s16+$0x0 ss:$0x1], $0xffff;
	[tilespmem:v0+s16+$0x0 ss:$0x1] =	vst.idx.msk $0xffff, v56  }
0x47: {  	v62 =	vld.idx.msk [tilespmem:v1+s16+$0x10 ss:$0x1], $0xffff;
	s17 =	sshrl.u32 s29, $0x11;
	[tilespmem:v0+s16+$0xFFFFFF90 ss:$0x1] =	vst.idx.msk $0xffff, v57  }
0x48: {  	v63 =	vld.idx.msk [tilespmem:v1+s16+$0x20 ss:$0x1], $0xffff;
	[tilespmem:v0+s16+$0xFFFFFFA0 ss:$0x1] =	vst.idx.msk $0xffff, v58;
	s17 =	smul.u32 $0xF4280, s17  }
0x49: {  	s14 =	smul.u32 $0x1E850, s14;
	[tilespmem:v0+s16+$0xFFFFFFB0 ss:$0x1] =	vst.idx.msk $0xffff, v59  }
.Ltmp4:
0x4a: {  	[tilespmem:v0+s16+$0xFFFFFFC0 ss:$0x1] =	vst.idx.msk $0xffff, v60;
	s30 =	ssub.s32 s13, s17;
	(pc) =	sbr.rel .LBB1_5-.Ltmp4, $4  }
0x4b: {  	[tilespmem:v0+s16+$0xFFFFFFD0 ss:$0x1] =	vst.idx.msk $0xffff, v61;
	s17 =	sand.u32 $0x7, s30  }
0x4c: {  	s14 =	sadd.s32 s2, s14;
	[tilespmem:v0+s16+$0xFFFFFFE0 ss:$0x1] =	vst.idx.msk $0xffff, v62;
	s13 =	sshrl.u32 s30, $0x3;
	s17 =	sshll.u32 s17, $0x12  }
0x4d: {  	[tilespmem:v0+s16+$0xFFFFFFF0 ss:$0x1] =	vst.idx.msk $0xffff, v63;
	s13 =	sadd.s32 s13, s14;
	s31 =	sor.u32 $0x80, s17  }
0x4e: {  	[hbm4b:s13+s31] =	stream.strided.scatter [tilespmem:s15], [sflag:$0x2], $0x1000, s8, s31, $0x38;
	[tilespmem:$0x4000] =	vst v63  }
.LBB1_6:
0x4f: {  	_ =	sfence.sel $0x180000  }
0x50: {  	s2 =	simm.s32 $0x1;
	[bflag:$0x0] =	sbarrier.arrive $0xFFFF  }
0x51: {  	s31 =	simm.s32 $0x2;
	[sflag:s2] =	ssyncpa.u1 $0x1  }
0x52: {  	[sflag:s31] =	ssyncpa.u1 $0x1  }
0x53: {  	p0 =	sne.s32 s0, $0x0;
	_ =	strace $0x90000047  }
0x54: {  	s0 =	sadd.s32 @!p0 $0x100000, s1;
	[bflag:$0x2] =	sbarrier.arrive $0xFFFF  }
0x55: {  	[sflag:s0] =	ssyncadd.tile.s32 @!p0 $0x1;
	_ =	shalt  }
.Lfunc_end1:
_tile_overlayer_lowered:
.L_overlay_start_2:
0x56: {  	(tag) =	ssettag $0x2  }
0x57: {  	s0 =	rddreg [dreg:$0x0];
	s2 =	stileid.u32  }
0x58: {  	s1 =	rddreg [dreg:$0x1];
	p0 =	sne.s32 s2, $0x0  }
0x59: {  	s3 =	rddreg [dreg:$0x2];
	[bflag:$0x3] =	sbarrier.arrive $0xFFFF;
	s2 =	simm.s32 @!p0 $0x1C01  }
0x5a: {  	[timem:s3], [sflag:s2] =	dma.local @!p0 [hbm:s0], s1  }
0x5b: {  	s0 =	simm.s32 @!p0 $0x1  }
0x5c: {  	_ =	swait.ge @!p0 [sflag:s0], s1  }
0x5d: {  	s1 =	ssub.s32 @!p0 $0x0, s1;
	[sflag:s0] =	ssyncset.done @!p0 $0x0  }
0x5e: {  	[sflag:s0] =	ssyncadd.s32 @!p0 s1  }
0x5f: {  	[bflag:$0x3] =	sbarrier.arrive $0xFFFF  }
0x60: {  	_ =	shalt  }

</sc_bundles>
